<compile_context>
chip_gen: v7x
topology: tpu7x:2x2x1
jax: 0.10.2.dev20260603
libtpu: 0.0.44.dev20260713+nightly
codegen_flags: <defaults>
</compile_context>

<pallas_src>
import functools

import jax
import jax.numpy as jnp
from jax import lax
from jax.experimental import pallas as pl
from jax.experimental.pallas import tpu as pltpu
from jax.experimental.pallas import tpu_sc as plsc

_N = 10000
_NPAD = 10240
_E = 320000
_PD = 128
_B = 16
_NC = 2
_NS = 16
_NT = _NC * _NS
_K = 80
_NCH = 128
_EPT = _NCH * _K
_EPAD = _NT * _EPT
_RPT = _NPAD // _NS

_SLOPE = 0.01


def _leaky(x):
    return jnp.where(x >= 0, x, _SLOPE * x)


def _sc_segsum(table, src3, dst3, zeros):
    mesh = plsc.VectorSubcoreMesh(core_axis_name="c", subcore_axis_name="s")

    @functools.partial(
        pl.kernel,
        mesh=mesh,
        out_type=jax.ShapeDtypeStruct((_NC * _NPAD, _PD), jnp.float32),
        scratch_types=[
            pltpu.VMEM((_EPT,), jnp.int32),
            pltpu.VMEM((_NCH, _K), jnp.int32),
            pltpu.VMEM((_K, _PD), jnp.float32),
            pltpu.VMEM_SHARED((_NPAD, _PD), jnp.float32),
        ],
    )
    def k(table_h, src_h, dst_h, zeros_h, out_h,
          src_v, dst_v, rows, acc_sh):
        cid = lax.axis_index("c")
        sid = lax.axis_index("s")
        wid = cid * _NS + sid
        pltpu.sync_copy(src_h.at[pl.ds(wid * _EPT, _EPT)], src_v)
        pltpu.sync_copy(dst_h.at[wid], dst_v)
        pltpu.sync_copy(zeros_h, acc_sh.at[pl.ds(sid * _RPT, _RPT)])
        plsc.subcore_barrier()

        def body(c, carry):
            pltpu.sync_copy(table_h.at[src_v.at[pl.ds(c * _K, _K)]], rows)
            pltpu.sync_copy(rows, acc_sh.at[dst_v.at[c]], add=True)
            return carry

        lax.fori_loop(0, _NCH, body, 0)
        plsc.subcore_barrier()
        pltpu.sync_copy(
            acc_sh.at[pl.ds(sid * _RPT, _RPT)],
            out_h.at[pl.ds(cid * _NPAD + sid * _RPT, _RPT)])

    return k(table, src3, dst3, zeros)


_EB = 4000


def _ti_body(a_ref, w_ref, b_ref, o_ref):
    x = a_ref[...] * w_ref[...] + b_ref[...]
    o_ref[...] = _leaky(x)


def _tc_ti(edge_attr, W3, b3):
    return pl.pallas_call(
        _ti_body,
        grid=(_E // _EB,),
        in_specs=[
            pl.BlockSpec((_EB, 1), lambda i: (i, 0)),
            pl.BlockSpec((1, _PD), lambda i: (0, 0)),
            pl.BlockSpec((1, _PD), lambda i: (0, 0)),
        ],
        out_specs=pl.BlockSpec((_EB, _PD), lambda i: (i, 0)),
        out_shape=jax.ShapeDtypeStruct((_E, _PD), jnp.float32),
    )(edge_attr, W3, b3.reshape(1, _PD))


_RB = 512


def _c_body(t0_ref, t1_ref, af_ref, w2_ref, wb_ref, b1_ref, b2_ref, o_ref):
    t = t0_ref[...] + t1_ref[...]
    o_ref[...] = (
        jnp.dot(t, w2_ref[...], preferred_element_type=jnp.float32)
        + jnp.dot(af_ref[...], wb_ref[...], preferred_element_type=jnp.float32)
        + b1_ref[...] + b2_ref[...])


def _tc_c(aggti, af, W2, wb, b1, b2):
    nb = _NPAD // _RB
    return pl.pallas_call(
        _c_body,
        grid=(nb,),
        in_specs=[
            pl.BlockSpec((_RB, _PD), lambda i: (i, 0)),
            pl.BlockSpec((_RB, _PD), lambda i, nb=nb: (i + nb, 0)),
            pl.BlockSpec((_RB, 16), lambda i: (i, 0)),
            pl.BlockSpec((_PD, _PD), lambda i: (0, 0)),
            pl.BlockSpec((16, _PD), lambda i: (0, 0)),
            pl.BlockSpec((1, _PD), lambda i: (0, 0)),
            pl.BlockSpec((1, _PD), lambda i: (0, 0)),
        ],
        out_specs=pl.BlockSpec((_RB, _PD), lambda i: (i, 0)),
        out_shape=jax.ShapeDtypeStruct((_NPAD, _PD), jnp.float32),
    )(aggti, aggti, af, W2, wb, b1.reshape(1, _PD), b2.reshape(1, _PD))


def _round_body(a0_ref, a1_ref, w1_ref, c_ref, o_ref):
    t = a0_ref[...] + a1_ref[...]
    x = jnp.dot(t, w1_ref[...], preferred_element_type=jnp.float32) + c_ref[...]
    o_ref[...] = _leaky(x)


def _tc_round(agg, W1, C):
    nb = _NPAD // _RB
    return pl.pallas_call(
        _round_body,
        grid=(nb,),
        in_specs=[
            pl.BlockSpec((_RB, _PD), lambda i: (i, 0)),
            pl.BlockSpec((_RB, _PD), lambda i, nb=nb: (i + nb, 0)),
            pl.BlockSpec((_PD, _PD), lambda i: (0, 0)),
            pl.BlockSpec((_RB, _PD), lambda i: (i, 0)),
        ],
        out_specs=pl.BlockSpec((_RB, _PD), lambda i: (i, 0)),
        out_shape=jax.ShapeDtypeStruct((_NPAD, _PD), jnp.float32),
    )(agg, agg, W1, C)


def _final_body(mu_ref, bf_ref, wc_ref, bc_ref, o_ref, s_sum, s_cnt):
    i = pl.program_id(0)

    @pl.when(i == 0)
    def _():
        s_sum[...] = jnp.zeros_like(s_sum)
        s_cnt[...] = jnp.zeros_like(s_cnt)

    iot = lax.broadcasted_iota(jnp.int32, (1, _B), 1).astype(jnp.float32)
    onehot = (bf_ref[...] == iot)
    onehot = onehot.astype(jnp.float32)
    dn = (((0,), (0,)), ((), ()))
    s_sum[...] += lax.dot_general(onehot, mu_ref[...], dn,
                                  preferred_element_type=jnp.float32)
    s_cnt[...] += lax.dot_general(onehot, jnp.ones((_RB, 1), jnp.float32), dn,
                                  preferred_element_type=jnp.float32)

    @pl.when(i == pl.num_programs(0) - 1)
    def _():
        g = s_sum[...] / jnp.maximum(s_cnt[...], 1.0)
        z = jnp.dot(g, wc_ref[...], preferred_element_type=jnp.float32) + bc_ref[...]
        o_ref[...] = 1.0 / (1.0 + jnp.exp(-z))


def _tc_final(mu, bf, Wc, bc):
    nb = _NPAD // _RB
    return pl.pallas_call(
        _final_body,
        grid=(nb,),
        in_specs=[
            pl.BlockSpec((_RB, _PD), lambda i: (i, 0)),
            pl.BlockSpec((_RB, 1), lambda i: (i, 0)),
            pl.BlockSpec((_PD, 1), lambda i: (0, 0)),
            pl.BlockSpec((1, 1), lambda i: (0, 0)),
        ],
        out_specs=pl.BlockSpec((_B, 1), lambda i: (0, 0)),
        out_shape=jax.ShapeDtypeStruct((_B, 1), jnp.float32),
        scratch_shapes=[
            pltpu.VMEM((_B, _PD), jnp.float32),
            pltpu.VMEM((_B, 1), jnp.float32),
        ],
    )(mu, bf, Wc, bc.reshape(1, 1))


def kernel(x_vehicle, x_pickup, x_dropoff, edge_attr, node_mu,
           W1, b1, W2, b2, W3, b3, Wv, bv, Wp, bp, Wd, bd, Wc, bc,
           edge_index, node_types, batch):
    V = x_vehicle.shape[0]
    P = x_pickup.shape[0]
    D = x_dropoff.shape[0]
    src = jnp.pad(edge_index[0], (0, _EPAD - _E))
    dst = jnp.pad(edge_index[1], (0, _EPAD - _E),
                  constant_values=_N).reshape(_NT, _NCH, _K)
    zeros = jnp.zeros((_RPT, _PD), jnp.float32)

    T = _tc_ti(edge_attr, W3, b3)
    iota = jnp.pad(jnp.arange(_E, dtype=jnp.int32), (0, _EPAD - _E))
    aggti = _sc_segsum(T, iota, dst, zeros)

    af = jnp.zeros((_NPAD, 16), jnp.float32)
    af = af.at[:V, 0:2].set(x_vehicle)
    af = af.at[V:V + P, 2:5].set(x_pickup)
    af = af.at[V + P:V + P + D, 5:7].set(x_dropoff)
    af = af.at[:V, 7].set(1.0)
    af = af.at[V:V + P, 8].set(1.0)
    af = af.at[V + P:V + P + D, 9].set(1.0)
    wb = jnp.concatenate(
        [Wv, Wp, Wd, bv[None], bp[None], bd[None],
         jnp.zeros((6, _PD), jnp.float32)], axis=0)

    C = _tc_c(aggti, af, W2, wb, b1, b2)

    mu = jnp.pad(node_mu, ((0, _NPAD - _N), (0, 0)))
    for _ in range(4):
        agg = _sc_segsum(mu, src, dst, zeros)
        mu = _tc_round(agg, W1, C)

    bf = jnp.pad(batch.astype(jnp.float32), (0, _NPAD - _N),
                 constant_values=float(_B)).reshape(_NPAD, 1)
    return _tc_final(mu, bf, Wc, bc)

# --- scband reference (transcript-rebuilt; emitter-appended) ---
"""Pipeline reference for scband-struc2-vec-86380382257163 (READ-ONLY COPY).

The authoritative reference and input builder live on the scoring server;
editing this copy changes nothing except your own understanding.
"""

import jax, jax.numpy as jnp
import numpy as np

N = 10000
E = 320000
P_DIM = 128
B = 16
V, P, D = 3400, 3300, 3300
R = 4


def setup_inputs(seed: int = 0) -> dict:
    key = jax.random.key(seed)
    ks = jax.random.split(key, 24)
    x_vehicle = jax.random.normal(ks[0], (V, 2), dtype=jnp.float32)
    x_pickup = jax.random.normal(ks[1], (P, 3), dtype=jnp.float32)
    x_dropoff = jax.random.normal(ks[2], (D, 2), dtype=jnp.float32)
    edge_index = jax.random.randint(ks[3], (2, E), 0, N, dtype=jnp.int32)
    edge_attr = jax.random.normal(ks[4], (E, 1), dtype=jnp.float32)
    node_mu = jax.random.normal(ks[5], (N, P_DIM), dtype=jnp.float32)
    # node types are laid out contiguously: [vehicle]*V + [pickup]*P + [dropoff]*D
    node_types = jnp.concatenate([
        jnp.zeros((V,), dtype=jnp.int32),
        jnp.ones((P,), dtype=jnp.int32),
        jnp.full((D,), 2, dtype=jnp.int32),
    ])
    batch = jnp.sort(jax.random.randint(ks[6], (N,), 0, B, dtype=jnp.int32))
    s = 0.05
    W1 = jax.random.normal(ks[7], (P_DIM, P_DIM), dtype=jnp.float32) * s
    b1 = jax.random.normal(ks[8], (P_DIM,), dtype=jnp.float32) * s
    W2 = jax.random.normal(ks[9], (P_DIM, P_DIM), dtype=jnp.float32) * s
    b2 = jax.random.normal(ks[10], (P_DIM,), dtype=jnp.float32) * s
    W3 = jax.random.normal(ks[11], (1, P_DIM), dtype=jnp.float32) * s
    b3 = jax.random.normal(ks[12], (P_DIM,), dtype=jnp.float32) * s
    Wv = jax.random.normal(ks[13], (2, P_DIM), dtype=jnp.float32) * s
    bv = jax.random.normal(ks[14], (P_DIM,), dtype=jnp.float32) * s
    Wp = jax.random.normal(ks[15], (3, P_DIM), dtype=jnp.float32) * s
    bp = jax.random.normal(ks[16], (P_DIM,), dtype=jnp.float32) * s
    Wd = jax.random.normal(ks[17], (2, P_DIM), dtype=jnp.float32) * s
    bd = jax.random.normal(ks[18], (P_DIM,), dtype=jnp.float32) * s
    Wc = jax.random.normal(ks[19], (P_DIM, 1), dtype=jnp.float32) * s
    bc = jax.random.normal(ks[20], (1,), dtype=jnp.float32) * s
    return {
        'x_vehicle': x_vehicle, 'x_pickup': x_pickup, 'x_dropoff': x_dropoff,
        'edge_attr': edge_attr, 'node_mu': node_mu,
        'W1': W1, 'b1': b1, 'W2': W2, 'b2': b2, 'W3': W3, 'b3': b3,
        'Wv': Wv, 'bv': bv, 'Wp': Wp, 'bp': bp, 'Wd': Wd, 'bd': bd,
        'Wc': Wc, 'bc': bc,
        'edge_index': edge_index, 'node_types': node_types, 'batch': batch,
    }


def reference(x_vehicle, x_pickup, x_dropoff, edge_attr, node_mu,
              W1, b1, W2, b2, W3, b3, Wv, bv, Wp, bp, Wd, bd, Wc, bc,
              edge_index, node_types, batch):
    src = edge_index[0]
    dst = edge_index[1]
    mu = node_mu
    for _ in range(R):
        ti = edge_attr.reshape(-1, 1)
        transformed_ti = jax.nn.leaky_relu(ti @ W3 + b3)  # [E, p_dim]
        aggregated_ti = jax.ops.segment_sum(transformed_ti, dst, num_segments=N)
        aggregated_mu = jax.ops.segment_sum(jnp.take(mu, src, axis=0), dst, num_segments=N)
        mu = (aggregated_mu @ W1 + b1) + (aggregated_ti @ W2 + b2)
        # per-type feature addition; node_types is contiguous [0]*V + [1]*P + [2]*D,
        # so the masked additions are equivalent to a concatenation over type blocks
        type_add = jnp.concatenate([
            x_vehicle @ Wv + bv,
            x_pickup @ Wp + bp,
            x_dropoff @ Wd + bd,
        ], axis=0)
        mu = jax.nn.leaky_relu(mu + type_add)
    seg_sum = jax.ops.segment_sum(mu, batch, num_segments=B)
    seg_cnt = jax.ops.segment_sum(jnp.ones((N, 1), dtype=mu.dtype), batch, num_segments=B)
    graph_embeddings = seg_sum / jnp.maximum(seg_cnt, 1.0)
    proba = jax.nn.sigmoid(graph_embeddings @ Wc + bc)
    return proba

if __name__ == "__main__":
    import jax
    _d = setup_inputs()
    print(jax.jit(kernel)(*tuple(_d.values())))

</pallas_src>

<mosaic_0001>
#map = affine_map<(d0, d1) -> (0, 0)>
#map1 = affine_map<(d0, d1) -> (0)>
#map2 = affine_map<(d0, d1) -> (0, 0, 0)>
module attributes {stable_mosaic.version = 14 : i64} {
  func.func @k(%arg0: i32, %arg1: i32, %arg2: memref<10240x128xf32, #tpu.memory_space<hbm>>, %arg3: memref<327680xi32, #tpu.memory_space<hbm>>, %arg4: memref<32x128x80xi32, #tpu.memory_space<hbm>>, %arg5: memref<640x128xf32, #tpu.memory_space<hbm>>, %arg6: memref<20480x128xf32, #tpu.memory_space<hbm>>, %arg7: memref<10240xi32, #tpu.memory_space<vmem>>, %arg8: memref<128x80xi32, #tpu.memory_space<vmem>>, %arg9: memref<80x128xf32, #tpu.memory_space<vmem>>, %arg10: memref<10240x128xf32, #tpu.memory_space<vmem_shared>>) attributes {dimension_semantics = [#tpu.dimension_semantics<core_parallel>, #tpu.dimension_semantics<subcore_parallel>], iteration_bounds = array<i64: 2, 16>, scalar_prefetch = 0 : i64, scratch_operands = 4 : i64, tpu.core_type = #tpu.core_type<sc_vector_subcore>, window_params = [{transform_indices = #map}, {transform_indices = #map1}, {transform_indices = #map2}, {transform_indices = #map}, {transform_indices = #map}]} {
    %mul3A = arith.constant 16 : i32
    %mul3A_0 = arith.muli %arg0, %mul3A : i32
    %add3A = arith.addi %mul3A_0, %arg1 : i32
    %mul3A_1 = arith.constant 10240 : i32
    %mul3A_2 = arith.muli %add3A, %mul3A_1 : i32
    "tpu.region"() ({
      %run_scoped3A = tpu.sem_alloc : memref<!tpu.dma_semaphore, #tpu.memory_space<semaphore_mem>>
      %dma_start3A = tpu.memref_slice %arg3[%mul3A_2] : memref<327680xi32, #tpu.memory_space<hbm>> -> memref<10240xi32, #tpu.memory_space<hbm>>
      %dma_start3A_18 = tpu.memref_slice %arg3[%mul3A_2] : memref<327680xi32, #tpu.memory_space<hbm>> -> memref<10240xi32, #tpu.memory_space<hbm>>
      tpu.enqueue_dma source(%dma_start3A_18 : memref<10240xi32, #tpu.memory_space<hbm>>) target(%arg7 : memref<10240xi32, #tpu.memory_space<vmem>>) target_semaphore(%run_scoped3A : memref<!tpu.dma_semaphore, #tpu.memory_space<semaphore_mem>>)
      %dma_wait3A = tpu.memref_slice %arg3[%mul3A_2] : memref<327680xi32, #tpu.memory_space<hbm>> -> memref<10240xi32, #tpu.memory_space<hbm>>
      %dma_wait3A_19 = tpu.memref_slice %arg3[%mul3A_2] : memref<327680xi32, #tpu.memory_space<hbm>> -> memref<10240xi32, #tpu.memory_space<hbm>>
      tpu.wait_dma2 semaphore(%run_scoped3A : memref<!tpu.dma_semaphore, #tpu.memory_space<semaphore_mem>>) src(%dma_wait3A_19 : memref<10240xi32, #tpu.memory_space<hbm>>) dst(%arg7 : memref<10240xi32, #tpu.memory_space<vmem>>)
      tpu.yield
    }) : () -> ()
    "tpu.region"() ({
      %run_scoped3A = tpu.sem_alloc : memref<!tpu.dma_semaphore, #tpu.memory_space<semaphore_mem>>
      %dma_start3A = arith.constant 0 : i32
      %dma_start3A_18 = arith.constant 0 : i32
      %dma_start3A_19 = tpu.memref_slice %arg4[%add3A, %dma_start3A, %dma_start3A_18] : memref<32x128x80xi32, #tpu.memory_space<hbm>> -> memref<1x128x80xi32, #tpu.memory_space<hbm>>
      %dma_start3A_20 = tpu.memref_squeeze %dma_start3A_19 : memref<1x128x80xi32, #tpu.memory_space<hbm>> -> memref<128x80xi32, #tpu.memory_space<hbm>>
      %dma_start3A_21 = arith.constant 0 : i32
      %dma_start3A_22 = arith.constant 0 : i32
      %dma_start3A_23 = tpu.memref_slice %arg4[%add3A, %dma_start3A_21, %dma_start3A_22] : memref<32x128x80xi32, #tpu.memory_space<hbm>> -> memref<1x128x80xi32, #tpu.memory_space<hbm>>
      %dma_start3A_24 = tpu.memref_squeeze %dma_start3A_23 : memref<1x128x80xi32, #tpu.memory_space<hbm>> -> memref<128x80xi32, #tpu.memory_space<hbm>>
      tpu.enqueue_dma source(%dma_start3A_24 : memref<128x80xi32, #tpu.memory_space<hbm>>) target(%arg8 : memref<128x80xi32, #tpu.memory_space<vmem>>) target_semaphore(%run_scoped3A : memref<!tpu.dma_semaphore, #tpu.memory_space<semaphore_mem>>)
      %dma_wait3A = arith.constant 0 : i32
      %dma_wait3A_25 = arith.constant 0 : i32
      %dma_wait3A_26 = tpu.memref_slice %arg4[%add3A, %dma_wait3A, %dma_wait3A_25] : memref<32x128x80xi32, #tpu.memory_space<hbm>> -> memref<1x128x80xi32, #tpu.memory_space<hbm>>
      %dma_wait3A_27 = tpu.memref_squeeze %dma_wait3A_26 : memref<1x128x80xi32, #tpu.memory_space<hbm>> -> memref<128x80xi32, #tpu.memory_space<hbm>>
      %dma_wait3A_28 = arith.constant 0 : i32
      %dma_wait3A_29 = arith.constant 0 : i32
      %dma_wait3A_30 = tpu.memref_slice %arg4[%add3A, %dma_wait3A_28, %dma_wait3A_29] : memref<32x128x80xi32, #tpu.memory_space<hbm>> -> memref<1x128x80xi32, #tpu.memory_space<hbm>>
      %dma_wait3A_31 = tpu.memref_squeeze %dma_wait3A_30 : memref<1x128x80xi32, #tpu.memory_space<hbm>> -> memref<128x80xi32, #tpu.memory_space<hbm>>
      tpu.wait_dma2 semaphore(%run_scoped3A : memref<!tpu.dma_semaphore, #tpu.memory_space<semaphore_mem>>) src(%dma_wait3A_31 : memref<128x80xi32, #tpu.memory_space<hbm>>) dst(%arg8 : memref<128x80xi32, #tpu.memory_space<vmem>>)
      tpu.yield
    }) : () -> ()
    %mul3A_3 = arith.constant 640 : i32
    %mul3A_4 = arith.muli %arg1, %mul3A_3 : i32
    "tpu.region"() ({
      %run_scoped3A = tpu.sem_alloc : memref<!tpu.dma_semaphore, #tpu.memory_space<semaphore_mem>>
      %dma_start3A = arith.constant 0 : i32
      %dma_start3A_18 = tpu.memref_slice %arg10[%mul3A_4, %dma_start3A] : memref<10240x128xf32, #tpu.memory_space<vmem_shared>> -> memref<640x128xf32, #tpu.memory_space<vmem_shared>>
      tpu.enqueue_dma source(%arg5 : memref<640x128xf32, #tpu.memory_space<hbm>>) target(%dma_start3A_18 : memref<640x128xf32, #tpu.memory_space<vmem_shared>>) target_semaphore(%run_scoped3A : memref<!tpu.dma_semaphore, #tpu.memory_space<semaphore_mem>>)
      %dma_wait3A = arith.constant 0 : i32
      %dma_wait3A_19 = tpu.memref_slice %arg10[%mul3A_4, %dma_wait3A] : memref<10240x128xf32, #tpu.memory_space<vmem_shared>> -> memref<640x128xf32, #tpu.memory_space<vmem_shared>>
      tpu.wait_dma2 semaphore(%run_scoped3A : memref<!tpu.dma_semaphore, #tpu.memory_space<semaphore_mem>>) src(%arg5 : memref<640x128xf32, #tpu.memory_space<hbm>>) dst(%dma_wait3A_19 : memref<640x128xf32, #tpu.memory_space<vmem_shared>>)
      tpu.yield
    }) : () -> ()
    %barrier3A = arith.constant 0 : index
    tpu.barrier barrier_id(%barrier3A)
    %scan3A = arith.constant 0 : i32
    %scan3A_5 = arith.constant 0 : i32
    %scan3A_6 = arith.constant 128 : i32
    %scan3A_7 = arith.addi %scan3A_5, %scan3A_6 : i32
    %scan3A_8 = arith.constant 1 : i32
    scf.for %scan3A_18 = %scan3A_5 to %scan3A_7 step %scan3A_8  : i32 {
      %mul3A_19 = arith.constant 80 : i32
      %mul3A_20 = arith.muli %scan3A_18, %mul3A_19 : i32
      "tpu.region"() ({
        %run_scoped3A = tpu.sem_alloc : memref<!tpu.dma_semaphore, #tpu.memory_space<semaphore_mem>>
        %dma_start3A = tpu.memref_slice %arg7[%mul3A_20] : memref<10240xi32, #tpu.memory_space<vmem>> -> memref<80xi32, #tpu.memory_space<vmem>>
        %dma_start3A_21 = arith.constant 0 : i32
        %dma_start3A_22 = arith.constant 0 : i32
        %dma_start3A_23 = tpu.memref_slice %arg2[%dma_start3A_21, %dma_start3A_22] : memref<10240x128xf32, #tpu.memory_space<hbm>> -> memref<10240x128xf32, #tpu.memory_space<hbm>>
        tpu.enqueue_indirect_dma source(%dma_start3A_23 : memref<10240x128xf32, #tpu.memory_space<hbm>>) target(%arg9 : memref<80x128xf32, #tpu.memory_space<vmem>>) offsets(%dma_start3A : memref<80xi32, #tpu.memory_space<vmem>>) semaphore(%run_scoped3A : memref<!tpu.dma_semaphore, #tpu.memory_space<semaphore_mem>>)
        %dma_wait3A = tpu.memref_slice %arg7[%mul3A_20] : memref<10240xi32, #tpu.memory_space<vmem>> -> memref<80xi32, #tpu.memory_space<vmem>>
        %dma_wait3A_24 = arith.constant 0 : i32
        %dma_wait3A_25 = arith.constant 0 : i32
        %dma_wait3A_26 = tpu.memref_slice %arg2[%dma_wait3A_24, %dma_wait3A_25] : memref<10240x128xf32, #tpu.memory_space<hbm>> -> memref<10240x128xf32, #tpu.memory_space<hbm>>
        tpu.wait_indirect_dma semaphore(%run_scoped3A : memref<!tpu.dma_semaphore, #tpu.memory_space<semaphore_mem>>) src(%dma_wait3A_26 : memref<10240x128xf32, #tpu.memory_space<hbm>>) dst(%arg9 : memref<80x128xf32, #tpu.memory_space<vmem>>)
        tpu.yield
      }) : () -> ()
      "tpu.region"() ({
        %run_scoped3A = tpu.sem_alloc : memref<!tpu.dma_semaphore, #tpu.memory_space<semaphore_mem>>
        %dma_start3A = arith.constant 0 : i32
        %dma_start3A_21 = tpu.memref_slice %arg8[%scan3A_18, %dma_start3A] : memref<128x80xi32, #tpu.memory_space<vmem>> -> memref<1x80xi32, #tpu.memory_space<vmem>>
        %dma_start3A_22 = tpu.memref_squeeze %dma_start3A_21 : memref<1x80xi32, #tpu.memory_space<vmem>> -> memref<80xi32, #tpu.memory_space<vmem>>
        %dma_start3A_23 = arith.constant 0 : i32
        %dma_start3A_24 = arith.constant 0 : i32
        %dma_start3A_25 = tpu.memref_slice %arg10[%dma_start3A_23, %dma_start3A_24] : memref<10240x128xf32, #tpu.memory_space<vmem_shared>> -> memref<10240x128xf32, #tpu.memory_space<vmem_shared>>
        tpu.enqueue_indirect_dma source(%arg9 : memref<80x128xf32, #tpu.memory_space<vmem>>) target(%dma_start3A_25 : memref<10240x128xf32, #tpu.memory_space<vmem_shared>>) offsets(%dma_start3A_22 : memref<80xi32, #tpu.memory_space<vmem>>) semaphore(%run_scoped3A : memref<!tpu.dma_semaphore, #tpu.memory_space<semaphore_mem>>) {add = true}
        %dma_wait3A = arith.constant 0 : i32
        %dma_wait3A_26 = tpu.memref_slice %arg8[%scan3A_18, %dma_wait3A] : memref<128x80xi32, #tpu.memory_space<vmem>> -> memref<1x80xi32, #tpu.memory_space<vmem>>
        %dma_wait3A_27 = tpu.memref_squeeze %dma_wait3A_26 : memref<1x80xi32, #tpu.memory_space<vmem>> -> memref<80xi32, #tpu.memory_space<vmem>>
        %dma_wait3A_28 = arith.constant 0 : i32
        %dma_wait3A_29 = arith.constant 0 : i32
        %dma_wait3A_30 = tpu.memref_slice %arg10[%dma_wait3A_28, %dma_wait3A_29] : memref<10240x128xf32, #tpu.memory_space<vmem_shared>> -> memref<10240x128xf32, #tpu.memory_space<vmem_shared>>
        tpu.wait_indirect_dma semaphore(%run_scoped3A : memref<!tpu.dma_semaphore, #tpu.memory_space<semaphore_mem>>) src(%arg9 : memref<80x128xf32, #tpu.memory_space<vmem>>) dst(%dma_wait3A_30 : memref<10240x128xf32, #tpu.memory_space<vmem_shared>>)
        tpu.yield
      }) : () -> ()
    }
    %scan3A_9 = arith.constant 128 : i32
    %barrier3A_10 = arith.constant 0 : index
    tpu.barrier barrier_id(%barrier3A_10)
    %mul3A_11 = arith.constant 640 : i32
    %mul3A_12 = arith.muli %arg1, %mul3A_11 : i32
    %mul3A_13 = arith.constant 10240 : i32
    %mul3A_14 = arith.muli %arg0, %mul3A_13 : i32
    %mul3A_15 = arith.constant 640 : i32
    %mul3A_16 = arith.muli %arg1, %mul3A_15 : i32
    %add3A_17 = arith.addi %mul3A_14, %mul3A_16 : i32
    "tpu.region"() ({
      %run_scoped3A = tpu.sem_alloc : memref<!tpu.dma_semaphore, #tpu.memory_space<semaphore_mem>>
      %dma_start3A = arith.constant 0 : i32
      %dma_start3A_18 = tpu.memref_slice %arg6[%add3A_17, %dma_start3A] : memref<20480x128xf32, #tpu.memory_space<hbm>> -> memref<640x128xf32, #tpu.memory_space<hbm>>
      %dma_start3A_19 = arith.constant 0 : i32
      %dma_start3A_20 = tpu.memref_slice %arg10[%mul3A_12, %dma_start3A_19] : memref<10240x128xf32, #tpu.memory_space<vmem_shared>> -> memref<640x128xf32, #tpu.memory_space<vmem_shared>>
      tpu.enqueue_dma source(%dma_start3A_20 : memref<640x128xf32, #tpu.memory_space<vmem_shared>>) target(%dma_start3A_18 : memref<640x128xf32, #tpu.memory_space<hbm>>) target_semaphore(%run_scoped3A : memref<!tpu.dma_semaphore, #tpu.memory_space<semaphore_mem>>)
      %dma_wait3A = arith.constant 0 : i32
      %dma_wait3A_21 = tpu.memref_slice %arg6[%add3A_17, %dma_wait3A] : memref<20480x128xf32, #tpu.memory_space<hbm>> -> memref<640x128xf32, #tpu.memory_space<hbm>>
      %dma_wait3A_22 = arith.constant 0 : i32
      %dma_wait3A_23 = tpu.memref_slice %arg10[%mul3A_12, %dma_wait3A_22] : memref<10240x128xf32, #tpu.memory_space<vmem_shared>> -> memref<640x128xf32, #tpu.memory_space<vmem_shared>>
      tpu.wait_dma2 semaphore(%run_scoped3A : memref<!tpu.dma_semaphore, #tpu.memory_space<semaphore_mem>>) src(%dma_wait3A_23 : memref<640x128xf32, #tpu.memory_space<vmem_shared>>) dst(%dma_wait3A_21 : memref<640x128xf32, #tpu.memory_space<hbm>>)
      tpu.yield
    }) : () -> ()
    return
  }
}

#map = affine_map<(d0, d1) -> (0, 0)>
#map1 = affine_map<(d0, d1) -> (0)>
#map2 = affine_map<(d0, d1) -> (0, 0, 0)>
module attributes {stable_mosaic.version = 14 : i64} {
  func.func @k(%arg0: i32, %arg1: i32, %arg2: memref<320000x128xf32, #tpu.memory_space<hbm>>, %arg3: memref<327680xi32, #tpu.memory_space<hbm>>, %arg4: memref<32x128x80xi32, #tpu.memory_space<hbm>>, %arg5: memref<640x128xf32, #tpu.memory_space<hbm>>, %arg6: memref<20480x128xf32, #tpu.memory_space<hbm>>, %arg7: memref<10240xi32, #tpu.memory_space<vmem>>, %arg8: memref<128x80xi32, #tpu.memory_space<vmem>>, %arg9: memref<80x128xf32, #tpu.memory_space<vmem>>, %arg10: memref<10240x128xf32, #tpu.memory_space<vmem_shared>>) attributes {dimension_semantics = [#tpu.dimension_semantics<core_parallel>, #tpu.dimension_semantics<subcore_parallel>], iteration_bounds = array<i64: 2, 16>, scalar_prefetch = 0 : i64, scratch_operands = 4 : i64, tpu.core_type = #tpu.core_type<sc_vector_subcore>, window_params = [{transform_indices = #map}, {transform_indices = #map1}, {transform_indices = #map2}, {transform_indices = #map}, {transform_indices = #map}]} {
    %mul3A = arith.constant 16 : i32
    %mul3A_0 = arith.muli %arg0, %mul3A : i32
    %add3A = arith.addi %mul3A_0, %arg1 : i32
    %mul3A_1 = arith.constant 10240 : i32
    %mul3A_2 = arith.muli %add3A, %mul3A_1 : i32
    "tpu.region"() ({
      %run_scoped3A = tpu.sem_alloc : memref<!tpu.dma_semaphore, #tpu.memory_space<semaphore_mem>>
      %dma_start3A = tpu.memref_slice %arg3[%mul3A_2] : memref<327680xi32, #tpu.memory_space<hbm>> -> memref<10240xi32, #tpu.memory_space<hbm>>
      %dma_start3A_18 = tpu.memref_slice %arg3[%mul3A_2] : memref<327680xi32, #tpu.memory_space<hbm>> -> memref<10240xi32, #tpu.memory_space<hbm>>
      tpu.enqueue_dma source(%dma_start3A_18 : memref<10240xi32, #tpu.memory_space<hbm>>) target(%arg7 : memref<10240xi32, #tpu.memory_space<vmem>>) target_semaphore(%run_scoped3A : memref<!tpu.dma_semaphore, #tpu.memory_space<semaphore_mem>>)
      %dma_wait3A = tpu.memref_slice %arg3[%mul3A_2] : memref<327680xi32, #tpu.memory_space<hbm>> -> memref<10240xi32, #tpu.memory_space<hbm>>
      %dma_wait3A_19 = tpu.memref_slice %arg3[%mul3A_2] : memref<327680xi32, #tpu.memory_space<hbm>> -> memref<10240xi32, #tpu.memory_space<hbm>>
      tpu.wait_dma2 semaphore(%run_scoped3A : memref<!tpu.dma_semaphore, #tpu.memory_space<semaphore_mem>>) src(%dma_wait3A_19 : memref<10240xi32, #tpu.memory_space<hbm>>) dst(%arg7 : memref<10240xi32, #tpu.memory_space<vmem>>)
      tpu.yield
    }) : () -> ()
    "tpu.region"() ({
      %run_scoped3A = tpu.sem_alloc : memref<!tpu.dma_semaphore, #tpu.memory_space<semaphore_mem>>
      %dma_start3A = arith.constant 0 : i32
      %dma_start3A_18 = arith.constant 0 : i32
      %dma_start3A_19 = tpu.memref_slice %arg4[%add3A, %dma_start3A, %dma_start3A_18] : memref<32x128x80xi32, #tpu.memory_space<hbm>> -> memref<1x128x80xi32, #tpu.memory_space<hbm>>
      %dma_start3A_20 = tpu.memref_squeeze %dma_start3A_19 : memref<1x128x80xi32, #tpu.memory_space<hbm>> -> memref<128x80xi32, #tpu.memory_space<hbm>>
      %dma_start3A_21 = arith.constant 0 : i32
      %dma_start3A_22 = arith.constant 0 : i32
      %dma_start3A_23 = tpu.memref_slice %arg4[%add3A, %dma_start3A_21, %dma_start3A_22] : memref<32x128x80xi32, #tpu.memory_space<hbm>> -> memref<1x128x80xi32, #tpu.memory_space<hbm>>
      %dma_start3A_24 = tpu.memref_squeeze %dma_start3A_23 : memref<1x128x80xi32, #tpu.memory_space<hbm>> -> memref<128x80xi32, #tpu.memory_space<hbm>>
      tpu.enqueue_dma source(%dma_start3A_24 : memref<128x80xi32, #tpu.memory_space<hbm>>) target(%arg8 : memref<128x80xi32, #tpu.memory_space<vmem>>) target_semaphore(%run_scoped3A : memref<!tpu.dma_semaphore, #tpu.memory_space<semaphore_mem>>)
      %dma_wait3A = arith.constant 0 : i32
      %dma_wait3A_25 = arith.constant 0 : i32
      %dma_wait3A_26 = tpu.memref_slice %arg4[%add3A, %dma_wait3A, %dma_wait3A_25] : memref<32x128x80xi32, #tpu.memory_space<hbm>> -> memref<1x128x80xi32, #tpu.memory_space<hbm>>
      %dma_wait3A_27 = tpu.memref_squeeze %dma_wait3A_26 : memref<1x128x80xi32, #tpu.memory_space<hbm>> -> memref<128x80xi32, #tpu.memory_space<hbm>>
      %dma_wait3A_28 = arith.constant 0 : i32
      %dma_wait3A_29 = arith.constant 0 : i32
      %dma_wait3A_30 = tpu.memref_slice %arg4[%add3A, %dma_wait3A_28, %dma_wait3A_29] : memref<32x128x80xi32, #tpu.memory_space<hbm>> -> memref<1x128x80xi32, #tpu.memory_space<hbm>>
      %dma_wait3A_31 = tpu.memref_squeeze %dma_wait3A_30 : memref<1x128x80xi32, #tpu.memory_space<hbm>> -> memref<128x80xi32, #tpu.memory_space<hbm>>
      tpu.wait_dma2 semaphore(%run_scoped3A : memref<!tpu.dma_semaphore, #tpu.memory_space<semaphore_mem>>) src(%dma_wait3A_31 : memref<128x80xi32, #tpu.memory_space<hbm>>) dst(%arg8 : memref<128x80xi32, #tpu.memory_space<vmem>>)
      tpu.yield
    }) : () -> ()
    %mul3A_3 = arith.constant 640 : i32
    %mul3A_4 = arith.muli %arg1, %mul3A_3 : i32
    "tpu.region"() ({
      %run_scoped3A = tpu.sem_alloc : memref<!tpu.dma_semaphore, #tpu.memory_space<semaphore_mem>>
      %dma_start3A = arith.constant 0 : i32
      %dma_start3A_18 = tpu.memref_slice %arg10[%mul3A_4, %dma_start3A] : memref<10240x128xf32, #tpu.memory_space<vmem_shared>> -> memref<640x128xf32, #tpu.memory_space<vmem_shared>>
      tpu.enqueue_dma source(%arg5 : memref<640x128xf32, #tpu.memory_space<hbm>>) target(%dma_start3A_18 : memref<640x128xf32, #tpu.memory_space<vmem_shared>>) target_semaphore(%run_scoped3A : memref<!tpu.dma_semaphore, #tpu.memory_space<semaphore_mem>>)
      %dma_wait3A = arith.constant 0 : i32
      %dma_wait3A_19 = tpu.memref_slice %arg10[%mul3A_4, %dma_wait3A] : memref<10240x128xf32, #tpu.memory_space<vmem_shared>> -> memref<640x128xf32, #tpu.memory_space<vmem_shared>>
      tpu.wait_dma2 semaphore(%run_scoped3A : memref<!tpu.dma_semaphore, #tpu.memory_space<semaphore_mem>>) src(%arg5 : memref<640x128xf32, #tpu.memory_space<hbm>>) dst(%dma_wait3A_19 : memref<640x128xf32, #tpu.memory_space<vmem_shared>>)
      tpu.yield
    }) : () -> ()
    %barrier3A = arith.constant 0 : index
    tpu.barrier barrier_id(%barrier3A)
    %scan3A = arith.constant 0 : i32
    %scan3A_5 = arith.constant 0 : i32
    %scan3A_6 = arith.constant 128 : i32
    %scan3A_7 = arith.addi %scan3A_5, %scan3A_6 : i32
    %scan3A_8 = arith.constant 1 : i32
    scf.for %scan3A_18 = %scan3A_5 to %scan3A_7 step %scan3A_8  : i32 {
      %mul3A_19 = arith.constant 80 : i32
      %mul3A_20 = arith.muli %scan3A_18, %mul3A_19 : i32
      "tpu.region"() ({
        %run_scoped3A = tpu.sem_alloc : memref<!tpu.dma_semaphore, #tpu.memory_space<semaphore_mem>>
        %dma_start3A = tpu.memref_slice %arg7[%mul3A_20] : memref<10240xi32, #tpu.memory_space<vmem>> -> memref<80xi32, #tpu.memory_space<vmem>>
        %dma_start3A_21 = arith.constant 0 : i32
        %dma_start3A_22 = arith.constant 0 : i32
        %dma_start3A_23 = tpu.memref_slice %arg2[%dma_start3A_21, %dma_start3A_22] : memref<320000x128xf32, #tpu.memory_space<hbm>> -> memref<320000x128xf32, #tpu.memory_space<hbm>>
        tpu.enqueue_indirect_dma source(%dma_start3A_23 : memref<320000x128xf32, #tpu.memory_space<hbm>>) target(%arg9 : memref<80x128xf32, #tpu.memory_space<vmem>>) offsets(%dma_start3A : memref<80xi32, #tpu.memory_space<vmem>>) semaphore(%run_scoped3A : memref<!tpu.dma_semaphore, #tpu.memory_space<semaphore_mem>>)
        %dma_wait3A = tpu.memref_slice %arg7[%mul3A_20] : memref<10240xi32, #tpu.memory_space<vmem>> -> memref<80xi32, #tpu.memory_space<vmem>>
        %dma_wait3A_24 = arith.constant 0 : i32
        %dma_wait3A_25 = arith.constant 0 : i32
        %dma_wait3A_26 = tpu.memref_slice %arg2[%dma_wait3A_24, %dma_wait3A_25] : memref<320000x128xf32, #tpu.memory_space<hbm>> -> memref<320000x128xf32, #tpu.memory_space<hbm>>
        tpu.wait_indirect_dma semaphore(%run_scoped3A : memref<!tpu.dma_semaphore, #tpu.memory_space<semaphore_mem>>) src(%dma_wait3A_26 : memref<320000x128xf32, #tpu.memory_space<hbm>>) dst(%arg9 : memref<80x128xf32, #tpu.memory_space<vmem>>)
        tpu.yield
      }) : () -> ()
      "tpu.region"() ({
        %run_scoped3A = tpu.sem_alloc : memref<!tpu.dma_semaphore, #tpu.memory_space<semaphore_mem>>
        %dma_start3A = arith.constant 0 : i32
        %dma_start3A_21 = tpu.memref_slice %arg8[%scan3A_18, %dma_start3A] : memref<128x80xi32, #tpu.memory_space<vmem>> -> memref<1x80xi32, #tpu.memory_space<vmem>>
        %dma_start3A_22 = tpu.memref_squeeze %dma_start3A_21 : memref<1x80xi32, #tpu.memory_space<vmem>> -> memref<80xi32, #tpu.memory_space<vmem>>
        %dma_start3A_23 = arith.constant 0 : i32
        %dma_start3A_24 = arith.constant 0 : i32
        %dma_start3A_25 = tpu.memref_slice %arg10[%dma_start3A_23, %dma_start3A_24] : memref<10240x128xf32, #tpu.memory_space<vmem_shared>> -> memref<10240x128xf32, #tpu.memory_space<vmem_shared>>
        tpu.enqueue_indirect_dma source(%arg9 : memref<80x128xf32, #tpu.memory_space<vmem>>) target(%dma_start3A_25 : memref<10240x128xf32, #tpu.memory_space<vmem_shared>>) offsets(%dma_start3A_22 : memref<80xi32, #tpu.memory_space<vmem>>) semaphore(%run_scoped3A : memref<!tpu.dma_semaphore, #tpu.memory_space<semaphore_mem>>) {add = true}
        %dma_wait3A = arith.constant 0 : i32
        %dma_wait3A_26 = tpu.memref_slice %arg8[%scan3A_18, %dma_wait3A] : memref<128x80xi32, #tpu.memory_space<vmem>> -> memref<1x80xi32, #tpu.memory_space<vmem>>
        %dma_wait3A_27 = tpu.memref_squeeze %dma_wait3A_26 : memref<1x80xi32, #tpu.memory_space<vmem>> -> memref<80xi32, #tpu.memory_space<vmem>>
        %dma_wait3A_28 = arith.constant 0 : i32
        %dma_wait3A_29 = arith.constant 0 : i32
        %dma_wait3A_30 = tpu.memref_slice %arg10[%dma_wait3A_28, %dma_wait3A_29] : memref<10240x128xf32, #tpu.memory_space<vmem_shared>> -> memref<10240x128xf32, #tpu.memory_space<vmem_shared>>
        tpu.wait_indirect_dma semaphore(%run_scoped3A : memref<!tpu.dma_semaphore, #tpu.memory_space<semaphore_mem>>) src(%arg9 : memref<80x128xf32, #tpu.memory_space<vmem>>) dst(%dma_wait3A_30 : memref<10240x128xf32, #tpu.memory_space<vmem_shared>>)
        tpu.yield
      }) : () -> ()
    }
    %scan3A_9 = arith.constant 128 : i32
    %barrier3A_10 = arith.constant 0 : index
    tpu.barrier barrier_id(%barrier3A_10)
    %mul3A_11 = arith.constant 640 : i32
    %mul3A_12 = arith.muli %arg1, %mul3A_11 : i32
    %mul3A_13 = arith.constant 10240 : i32
    %mul3A_14 = arith.muli %arg0, %mul3A_13 : i32
    %mul3A_15 = arith.constant 640 : i32
    %mul3A_16 = arith.muli %arg1, %mul3A_15 : i32
    %add3A_17 = arith.addi %mul3A_14, %mul3A_16 : i32
    "tpu.region"() ({
      %run_scoped3A = tpu.sem_alloc : memref<!tpu.dma_semaphore, #tpu.memory_space<semaphore_mem>>
      %dma_start3A = arith.constant 0 : i32
      %dma_start3A_18 = tpu.memref_slice %arg6[%add3A_17, %dma_start3A] : memref<20480x128xf32, #tpu.memory_space<hbm>> -> memref<640x128xf32, #tpu.memory_space<hbm>>
      %dma_start3A_19 = arith.constant 0 : i32
      %dma_start3A_20 = tpu.memref_slice %arg10[%mul3A_12, %dma_start3A_19] : memref<10240x128xf32, #tpu.memory_space<vmem_shared>> -> memref<640x128xf32, #tpu.memory_space<vmem_shared>>
      tpu.enqueue_dma source(%dma_start3A_20 : memref<640x128xf32, #tpu.memory_space<vmem_shared>>) target(%dma_start3A_18 : memref<640x128xf32, #tpu.memory_space<hbm>>) target_semaphore(%run_scoped3A : memref<!tpu.dma_semaphore, #tpu.memory_space<semaphore_mem>>)
      %dma_wait3A = arith.constant 0 : i32
      %dma_wait3A_21 = tpu.memref_slice %arg6[%add3A_17, %dma_wait3A] : memref<20480x128xf32, #tpu.memory_space<hbm>> -> memref<640x128xf32, #tpu.memory_space<hbm>>
      %dma_wait3A_22 = arith.constant 0 : i32
      %dma_wait3A_23 = tpu.memref_slice %arg10[%mul3A_12, %dma_wait3A_22] : memref<10240x128xf32, #tpu.memory_space<vmem_shared>> -> memref<640x128xf32, #tpu.memory_space<vmem_shared>>
      tpu.wait_dma2 semaphore(%run_scoped3A : memref<!tpu.dma_semaphore, #tpu.memory_space<semaphore_mem>>) src(%dma_wait3A_23 : memref<640x128xf32, #tpu.memory_space<vmem_shared>>) dst(%dma_wait3A_21 : memref<640x128xf32, #tpu.memory_space<hbm>>)
      tpu.yield
    }) : () -> ()
    return
  }
}

#map = affine_map<(d0, d1) -> (0, 0)>
#map1 = affine_map<(d0, d1) -> (0)>
#map2 = affine_map<(d0, d1) -> (0, 0, 0)>
module attributes {stable_mosaic.version = 14 : i64} {
  func.func @k(%arg0: i32, %arg1: i32, %arg2: memref<10240x128xf32, #tpu.memory_space<hbm>>, %arg3: memref<327680xi32, #tpu.memory_space<hbm>>, %arg4: memref<32x128x80xi32, #tpu.memory_space<hbm>>, %arg5: memref<640x128xf32, #tpu.memory_space<hbm>>, %arg6: memref<20480x128xf32, #tpu.memory_space<hbm>>, %arg7: memref<10240xi32, #tpu.memory_space<vmem>>, %arg8: memref<128x80xi32, #tpu.memory_space<vmem>>, %arg9: memref<80x128xf32, #tpu.memory_space<vmem>>, %arg10: memref<10240x128xf32, #tpu.memory_space<vmem_shared>>) attributes {dimension_semantics = [#tpu.dimension_semantics<core_parallel>, #tpu.dimension_semantics<subcore_parallel>], iteration_bounds = array<i64: 2, 16>, scalar_prefetch = 0 : i64, scratch_operands = 4 : i64, tpu.core_type = #tpu.core_type<sc_vector_subcore>, window_params = [{transform_indices = #map}, {transform_indices = #map1}, {transform_indices = #map2}, {transform_indices = #map}, {transform_indices = #map}]} {
    %mul3A = arith.constant 16 : i32
    %mul3A_0 = arith.muli %arg0, %mul3A : i32
    %add3A = arith.addi %mul3A_0, %arg1 : i32
    %mul3A_1 = arith.constant 10240 : i32
    %mul3A_2 = arith.muli %add3A, %mul3A_1 : i32
    "tpu.region"() ({
      %run_scoped3A = tpu.sem_alloc : memref<!tpu.dma_semaphore, #tpu.memory_space<semaphore_mem>>
      %dma_start3A = tpu.memref_slice %arg3[%mul3A_2] : memref<327680xi32, #tpu.memory_space<hbm>> -> memref<10240xi32, #tpu.memory_space<hbm>>
      %dma_start3A_18 = tpu.memref_slice %arg3[%mul3A_2] : memref<327680xi32, #tpu.memory_space<hbm>> -> memref<10240xi32, #tpu.memory_space<hbm>>
      tpu.enqueue_dma source(%dma_start3A_18 : memref<10240xi32, #tpu.memory_space<hbm>>) target(%arg7 : memref<10240xi32, #tpu.memory_space<vmem>>) target_semaphore(%run_scoped3A : memref<!tpu.dma_semaphore, #tpu.memory_space<semaphore_mem>>)
      %dma_wait3A = tpu.memref_slice %arg3[%mul3A_2] : memref<327680xi32, #tpu.memory_space<hbm>> -> memref<10240xi32, #tpu.memory_space<hbm>>
      %dma_wait3A_19 = tpu.memref_slice %arg3[%mul3A_2] : memref<327680xi32, #tpu.memory_space<hbm>> -> memref<10240xi32, #tpu.memory_space<hbm>>
      tpu.wait_dma2 semaphore(%run_scoped3A : memref<!tpu.dma_semaphore, #tpu.memory_space<semaphore_mem>>) src(%dma_wait3A_19 : memref<10240xi32, #tpu.memory_space<hbm>>) dst(%arg7 : memref<10240xi32, #tpu.memory_space<vmem>>)
      tpu.yield
    }) : () -> ()
    "tpu.region"() ({
      %run_scoped3A = tpu.sem_alloc : memref<!tpu.dma_semaphore, #tpu.memory_space<semaphore_mem>>
      %dma_start3A = arith.constant 0 : i32
      %dma_start3A_18 = arith.constant 0 : i32
      %dma_start3A_19 = tpu.memref_slice %arg4[%add3A, %dma_start3A, %dma_start3A_18] : memref<32x128x80xi32, #tpu.memory_space<hbm>> -> memref<1x128x80xi32, #tpu.memory_space<hbm>>
      %dma_start3A_20 = tpu.memref_squeeze %dma_start3A_19 : memref<1x128x80xi32, #tpu.memory_space<hbm>> -> memref<128x80xi32, #tpu.memory_space<hbm>>
      %dma_start3A_21 = arith.constant 0 : i32
      %dma_start3A_22 = arith.constant 0 : i32
      %dma_start3A_23 = tpu.memref_slice %arg4[%add3A, %dma_start3A_21, %dma_start3A_22] : memref<32x128x80xi32, #tpu.memory_space<hbm>> -> memref<1x128x80xi32, #tpu.memory_space<hbm>>
      %dma_start3A_24 = tpu.memref_squeeze %dma_start3A_23 : memref<1x128x80xi32, #tpu.memory_space<hbm>> -> memref<128x80xi32, #tpu.memory_space<hbm>>
      tpu.enqueue_dma source(%dma_start3A_24 : memref<128x80xi32, #tpu.memory_space<hbm>>) target(%arg8 : memref<128x80xi32, #tpu.memory_space<vmem>>) target_semaphore(%run_scoped3A : memref<!tpu.dma_semaphore, #tpu.memory_space<semaphore_mem>>)
      %dma_wait3A = arith.constant 0 : i32
      %dma_wait3A_25 = arith.constant 0 : i32
      %dma_wait3A_26 = tpu.memref_slice %arg4[%add3A, %dma_wait3A, %dma_wait3A_25] : memref<32x128x80xi32, #tpu.memory_space<hbm>> -> memref<1x128x80xi32, #tpu.memory_space<hbm>>
      %dma_wait3A_27 = tpu.memref_squeeze %dma_wait3A_26 : memref<1x128x80xi32, #tpu.memory_space<hbm>> -> memref<128x80xi32, #tpu.memory_space<hbm>>
      %dma_wait3A_28 = arith.constant 0 : i32
      %dma_wait3A_29 = arith.constant 0 : i32
      %dma_wait3A_30 = tpu.memref_slice %arg4[%add3A, %dma_wait3A_28, %dma_wait3A_29] : memref<32x128x80xi32, #tpu.memory_space<hbm>> -> memref<1x128x80xi32, #tpu.memory_space<hbm>>
      %dma_wait3A_31 = tpu.memref_squeeze %dma_wait3A_30 : memref<1x128x80xi32, #tpu.memory_space<hbm>> -> memref<128x80xi32, #tpu.memory_space<hbm>>
      tpu.wait_dma2 semaphore(%run_scoped3A : memref<!tpu.dma_semaphore, #tpu.memory_space<semaphore_mem>>) src(%dma_wait3A_31 : memref<128x80xi32, #tpu.memory_space<hbm>>) dst(%arg8 : memref<128x80xi32, #tpu.memory_space<vmem>>)
      tpu.yield
    }) : () -> ()
    %mul3A_3 = arith.constant 640 : i32
    %mul3A_4 = arith.muli %arg1, %mul3A_3 : i32
    "tpu.region"() ({
      %run_scoped3A = tpu.sem_alloc : memref<!tpu.dma_semaphore, #tpu.memory_space<semaphore_mem>>
      %dma_start3A = arith.constant 0 : i32
      %dma_start3A_18 = tpu.memref_slice %arg10[%mul3A_4, %dma_start3A] : memref<10240x128xf32, #tpu.memory_space<vmem_shared>> -> memref<640x128xf32, #tpu.memory_space<vmem_shared>>
      tpu.enqueue_dma source(%arg5 : memref<640x128xf32, #tpu.memory_space<hbm>>) target(%dma_start3A_18 : memref<640x128xf32, #tpu.memory_space<vmem_shared>>) target_semaphore(%run_scoped3A : memref<!tpu.dma_semaphore, #tpu.memory_space<semaphore_mem>>)
      %dma_wait3A = arith.constant 0 : i32
      %dma_wait3A_19 = tpu.memref_slice %arg10[%mul3A_4, %dma_wait3A] : memref<10240x128xf32, #tpu.memory_space<vmem_shared>> -> memref<640x128xf32, #tpu.memory_space<vmem_shared>>
      tpu.wait_dma2 semaphore(%run_scoped3A : memref<!tpu.dma_semaphore, #tpu.memory_space<semaphore_mem>>) src(%arg5 : memref<640x128xf32, #tpu.memory_space<hbm>>) dst(%dma_wait3A_19 : memref<640x128xf32, #tpu.memory_space<vmem_shared>>)
      tpu.yield
    }) : () -> ()
    %barrier3A = arith.constant 0 : index
    tpu.barrier barrier_id(%barrier3A)
    %scan3A = arith.constant 0 : i32
    %scan3A_5 = arith.constant 0 : i32
    %scan3A_6 = arith.constant 128 : i32
    %scan3A_7 = arith.addi %scan3A_5, %scan3A_6 : i32
    %scan3A_8 = arith.constant 1 : i32
    scf.for %scan3A_18 = %scan3A_5 to %scan3A_7 step %scan3A_8  : i32 {
      %mul3A_19 = arith.constant 80 : i32
      %mul3A_20 = arith.muli %scan3A_18, %mul3A_19 : i32
      "tpu.region"() ({
        %run_scoped3A = tpu.sem_alloc : memref<!tpu.dma_semaphore, #tpu.memory_space<semaphore_mem>>
        %dma_start3A = tpu.memref_slice %arg7[%mul3A_20] : memref<10240xi32, #tpu.memory_space<vmem>> -> memref<80xi32, #tpu.memory_space<vmem>>
        %dma_start3A_21 = arith.constant 0 : i32
        %dma_start3A_22 = arith.constant 0 : i32
        %dma_start3A_23 = tpu.memref_slice %arg2[%dma_start3A_21, %dma_start3A_22] : memref<10240x128xf32, #tpu.memory_space<hbm>> -> memref<10240x128xf32, #tpu.memory_space<hbm>>
        tpu.enqueue_indirect_dma source(%dma_start3A_23 : memref<10240x128xf32, #tpu.memory_space<hbm>>) target(%arg9 : memref<80x128xf32, #tpu.memory_space<vmem>>) offsets(%dma_start3A : memref<80xi32, #tpu.memory_space<vmem>>) semaphore(%run_scoped3A : memref<!tpu.dma_semaphore, #tpu.memory_space<semaphore_mem>>)
        %dma_wait3A = tpu.memref_slice %arg7[%mul3A_20] : memref<10240xi32, #tpu.memory_space<vmem>> -> memref<80xi32, #tpu.memory_space<vmem>>
        %dma_wait3A_24 = arith.constant 0 : i32
        %dma_wait3A_25 = arith.constant 0 : i32
        %dma_wait3A_26 = tpu.memref_slice %arg2[%dma_wait3A_24, %dma_wait3A_25] : memref<10240x128xf32, #tpu.memory_space<hbm>> -> memref<10240x128xf32, #tpu.memory_space<hbm>>
        tpu.wait_indirect_dma semaphore(%run_scoped3A : memref<!tpu.dma_semaphore, #tpu.memory_space<semaphore_mem>>) src(%dma_wait3A_26 : memref<10240x128xf32, #tpu.memory_space<hbm>>) dst(%arg9 : memref<80x128xf32, #tpu.memory_space<vmem>>)
        tpu.yield
      }) : () -> ()
      "tpu.region"() ({
        %run_scoped3A = tpu.sem_alloc : memref<!tpu.dma_semaphore, #tpu.memory_space<semaphore_mem>>
        %dma_start3A = arith.constant 0 : i32
        %dma_start3A_21 = tpu.memref_slice %arg8[%scan3A_18, %dma_start3A] : memref<128x80xi32, #tpu.memory_space<vmem>> -> memref<1x80xi32, #tpu.memory_space<vmem>>
        %dma_start3A_22 = tpu.memref_squeeze %dma_start3A_21 : memref<1x80xi32, #tpu.memory_space<vmem>> -> memref<80xi32, #tpu.memory_space<vmem>>
        %dma_start3A_23 = arith.constant 0 : i32
        %dma_start3A_24 = arith.constant 0 : i32
        %dma_start3A_25 = tpu.memref_slice %arg10[%dma_start3A_23, %dma_start3A_24] : memref<10240x128xf32, #tpu.memory_space<vmem_shared>> -> memref<10240x128xf32, #tpu.memory_space<vmem_shared>>
        tpu.enqueue_indirect_dma source(%arg9 : memref<80x128xf32, #tpu.memory_space<vmem>>) target(%dma_start3A_25 : memref<10240x128xf32, #tpu.memory_space<vmem_shared>>) offsets(%dma_start3A_22 : memref<80xi32, #tpu.memory_space<vmem>>) semaphore(%run_scoped3A : memref<!tpu.dma_semaphore, #tpu.memory_space<semaphore_mem>>) {add = true}
        %dma_wait3A = arith.constant 0 : i32
        %dma_wait3A_26 = tpu.memref_slice %arg8[%scan3A_18, %dma_wait3A] : memref<128x80xi32, #tpu.memory_space<vmem>> -> memref<1x80xi32, #tpu.memory_space<vmem>>
        %dma_wait3A_27 = tpu.memref_squeeze %dma_wait3A_26 : memref<1x80xi32, #tpu.memory_space<vmem>> -> memref<80xi32, #tpu.memory_space<vmem>>
        %dma_wait3A_28 = arith.constant 0 : i32
        %dma_wait3A_29 = arith.constant 0 : i32
        %dma_wait3A_30 = tpu.memref_slice %arg10[%dma_wait3A_28, %dma_wait3A_29] : memref<10240x128xf32, #tpu.memory_space<vmem_shared>> -> memref<10240x128xf32, #tpu.memory_space<vmem_shared>>
        tpu.wait_indirect_dma semaphore(%run_scoped3A : memref<!tpu.dma_semaphore, #tpu.memory_space<semaphore_mem>>) src(%arg9 : memref<80x128xf32, #tpu.memory_space<vmem>>) dst(%dma_wait3A_30 : memref<10240x128xf32, #tpu.memory_space<vmem_shared>>)
        tpu.yield
      }) : () -> ()
    }
    %scan3A_9 = arith.constant 128 : i32
    %barrier3A_10 = arith.constant 0 : index
    tpu.barrier barrier_id(%barrier3A_10)
    %mul3A_11 = arith.constant 640 : i32
    %mul3A_12 = arith.muli %arg1, %mul3A_11 : i32
    %mul3A_13 = arith.constant 10240 : i32
    %mul3A_14 = arith.muli %arg0, %mul3A_13 : i32
    %mul3A_15 = arith.constant 640 : i32
    %mul3A_16 = arith.muli %arg1, %mul3A_15 : i32
    %add3A_17 = arith.addi %mul3A_14, %mul3A_16 : i32
    "tpu.region"() ({
      %run_scoped3A = tpu.sem_alloc : memref<!tpu.dma_semaphore, #tpu.memory_space<semaphore_mem>>
      %dma_start3A = arith.constant 0 : i32
      %dma_start3A_18 = tpu.memref_slice %arg6[%add3A_17, %dma_start3A] : memref<20480x128xf32, #tpu.memory_space<hbm>> -> memref<640x128xf32, #tpu.memory_space<hbm>>
      %dma_start3A_19 = arith.constant 0 : i32
      %dma_start3A_20 = tpu.memref_slice %arg10[%mul3A_12, %dma_start3A_19] : memref<10240x128xf32, #tpu.memory_space<vmem_shared>> -> memref<640x128xf32, #tpu.memory_space<vmem_shared>>
      tpu.enqueue_dma source(%dma_start3A_20 : memref<640x128xf32, #tpu.memory_space<vmem_shared>>) target(%dma_start3A_18 : memref<640x128xf32, #tpu.memory_space<hbm>>) target_semaphore(%run_scoped3A : memref<!tpu.dma_semaphore, #tpu.memory_space<semaphore_mem>>)
      %dma_wait3A = arith.constant 0 : i32
      %dma_wait3A_21 = tpu.memref_slice %arg6[%add3A_17, %dma_wait3A] : memref<20480x128xf32, #tpu.memory_space<hbm>> -> memref<640x128xf32, #tpu.memory_space<hbm>>
      %dma_wait3A_22 = arith.constant 0 : i32
      %dma_wait3A_23 = tpu.memref_slice %arg10[%mul3A_12, %dma_wait3A_22] : memref<10240x128xf32, #tpu.memory_space<vmem_shared>> -> memref<640x128xf32, #tpu.memory_space<vmem_shared>>
      tpu.wait_dma2 semaphore(%run_scoped3A : memref<!tpu.dma_semaphore, #tpu.memory_space<semaphore_mem>>) src(%dma_wait3A_23 : memref<640x128xf32, #tpu.memory_space<vmem_shared>>) dst(%dma_wait3A_21 : memref<640x128xf32, #tpu.memory_space<hbm>>)
      tpu.yield
    }) : () -> ()
    return
  }
}

#map = affine_map<(d0, d1) -> (0, 0)>
#map1 = affine_map<(d0, d1) -> (0)>
#map2 = affine_map<(d0, d1) -> (0, 0, 0)>
module attributes {stable_mosaic.version = 14 : i64} {
  func.func @k(%arg0: i32, %arg1: i32, %arg2: memref<10240x128xf32, #tpu.memory_space<hbm>>, %arg3: memref<327680xi32, #tpu.memory_space<hbm>>, %arg4: memref<32x128x80xi32, #tpu.memory_space<hbm>>, %arg5: memref<640x128xf32, #tpu.memory_space<hbm>>, %arg6: memref<20480x128xf32, #tpu.memory_space<hbm>>, %arg7: memref<10240xi32, #tpu.memory_space<vmem>>, %arg8: memref<128x80xi32, #tpu.memory_space<vmem>>, %arg9: memref<80x128xf32, #tpu.memory_space<vmem>>, %arg10: memref<10240x128xf32, #tpu.memory_space<vmem_shared>>) attributes {dimension_semantics = [#tpu.dimension_semantics<core_parallel>, #tpu.dimension_semantics<subcore_parallel>], iteration_bounds = array<i64: 2, 16>, scalar_prefetch = 0 : i64, scratch_operands = 4 : i64, tpu.core_type = #tpu.core_type<sc_vector_subcore>, window_params = [{transform_indices = #map}, {transform_indices = #map1}, {transform_indices = #map2}, {transform_indices = #map}, {transform_indices = #map}]} {
    %mul3A = arith.constant 16 : i32
    %mul3A_0 = arith.muli %arg0, %mul3A : i32
    %add3A = arith.addi %mul3A_0, %arg1 : i32
    %mul3A_1 = arith.constant 10240 : i32
    %mul3A_2 = arith.muli %add3A, %mul3A_1 : i32
    "tpu.region"() ({
      %run_scoped3A = tpu.sem_alloc : memref<!tpu.dma_semaphore, #tpu.memory_space<semaphore_mem>>
      %dma_start3A = tpu.memref_slice %arg3[%mul3A_2] : memref<327680xi32, #tpu.memory_space<hbm>> -> memref<10240xi32, #tpu.memory_space<hbm>>
      %dma_start3A_18 = tpu.memref_slice %arg3[%mul3A_2] : memref<327680xi32, #tpu.memory_space<hbm>> -> memref<10240xi32, #tpu.memory_space<hbm>>
      tpu.enqueue_dma source(%dma_start3A_18 : memref<10240xi32, #tpu.memory_space<hbm>>) target(%arg7 : memref<10240xi32, #tpu.memory_space<vmem>>) target_semaphore(%run_scoped3A : memref<!tpu.dma_semaphore, #tpu.memory_space<semaphore_mem>>)
      %dma_wait3A = tpu.memref_slice %arg3[%mul3A_2] : memref<327680xi32, #tpu.memory_space<hbm>> -> memref<10240xi32, #tpu.memory_space<hbm>>
      %dma_wait3A_19 = tpu.memref_slice %arg3[%mul3A_2] : memref<327680xi32, #tpu.memory_space<hbm>> -> memref<10240xi32, #tpu.memory_space<hbm>>
      tpu.wait_dma2 semaphore(%run_scoped3A : memref<!tpu.dma_semaphore, #tpu.memory_space<semaphore_mem>>) src(%dma_wait3A_19 : memref<10240xi32, #tpu.memory_space<hbm>>) dst(%arg7 : memref<10240xi32, #tpu.memory_space<vmem>>)
      tpu.yield
    }) : () -> ()
    "tpu.region"() ({
      %run_scoped3A = tpu.sem_alloc : memref<!tpu.dma_semaphore, #tpu.memory_space<semaphore_mem>>
      %dma_start3A = arith.constant 0 : i32
      %dma_start3A_18 = arith.constant 0 : i32
      %dma_start3A_19 = tpu.memref_slice %arg4[%add3A, %dma_start3A, %dma_start3A_18] : memref<32x128x80xi32, #tpu.memory_space<hbm>> -> memref<1x128x80xi32, #tpu.memory_space<hbm>>
      %dma_start3A_20 = tpu.memref_squeeze %dma_start3A_19 : memref<1x128x80xi32, #tpu.memory_space<hbm>> -> memref<128x80xi32, #tpu.memory_space<hbm>>
      %dma_start3A_21 = arith.constant 0 : i32
      %dma_start3A_22 = arith.constant 0 : i32
      %dma_start3A_23 = tpu.memref_slice %arg4[%add3A, %dma_start3A_21, %dma_start3A_22] : memref<32x128x80xi32, #tpu.memory_space<hbm>> -> memref<1x128x80xi32, #tpu.memory_space<hbm>>
      %dma_start3A_24 = tpu.memref_squeeze %dma_start3A_23 : memref<1x128x80xi32, #tpu.memory_space<hbm>> -> memref<128x80xi32, #tpu.memory_space<hbm>>
      tpu.enqueue_dma source(%dma_start3A_24 : memref<128x80xi32, #tpu.memory_space<hbm>>) target(%arg8 : memref<128x80xi32, #tpu.memory_space<vmem>>) target_semaphore(%run_scoped3A : memref<!tpu.dma_semaphore, #tpu.memory_space<semaphore_mem>>)
      %dma_wait3A = arith.constant 0 : i32
      %dma_wait3A_25 = arith.constant 0 : i32
      %dma_wait3A_26 = tpu.memref_slice %arg4[%add3A, %dma_wait3A, %dma_wait3A_25] : memref<32x128x80xi32, #tpu.memory_space<hbm>> -> memref<1x128x80xi32, #tpu.memory_space<hbm>>
      %dma_wait3A_27 = tpu.memref_squeeze %dma_wait3A_26 : memref<1x128x80xi32, #tpu.memory_space<hbm>> -> memref<128x80xi32, #tpu.memory_space<hbm>>
      %dma_wait3A_28 = arith.constant 0 : i32
      %dma_wait3A_29 = arith.constant 0 : i32
      %dma_wait3A_30 = tpu.memref_slice %arg4[%add3A, %dma_wait3A_28, %dma_wait3A_29] : memref<32x128x80xi32, #tpu.memory_space<hbm>> -> memref<1x128x80xi32, #tpu.memory_space<hbm>>
      %dma_wait3A_31 = tpu.memref_squeeze %dma_wait3A_30 : memref<1x128x80xi32, #tpu.memory_space<hbm>> -> memref<128x80xi32, #tpu.memory_space<hbm>>
      tpu.wait_dma2 semaphore(%run_scoped3A : memref<!tpu.dma_semaphore, #tpu.memory_space<semaphore_mem>>) src(%dma_wait3A_31 : memref<128x80xi32, #tpu.memory_space<hbm>>) dst(%arg8 : memref<128x80xi32, #tpu.memory_space<vmem>>)
      tpu.yield
    }) : () -> ()
    %mul3A_3 = arith.constant 640 : i32
    %mul3A_4 = arith.muli %arg1, %mul3A_3 : i32
    "tpu.region"() ({
      %run_scoped3A = tpu.sem_alloc : memref<!tpu.dma_semaphore, #tpu.memory_space<semaphore_mem>>
      %dma_start3A = arith.constant 0 : i32
      %dma_start3A_18 = tpu.memref_slice %arg10[%mul3A_4, %dma_start3A] : memref<10240x128xf32, #tpu.memory_space<vmem_shared>> -> memref<640x128xf32, #tpu.memory_space<vmem_shared>>
      tpu.enqueue_dma source(%arg5 : memref<640x128xf32, #tpu.memory_space<hbm>>) target(%dma_start3A_18 : memref<640x128xf32, #tpu.memory_space<vmem_shared>>) target_semaphore(%run_scoped3A : memref<!tpu.dma_semaphore, #tpu.memory_space<semaphore_mem>>)
      %dma_wait3A = arith.constant 0 : i32
      %dma_wait3A_19 = tpu.memref_slice %arg10[%mul3A_4, %dma_wait3A] : memref<10240x128xf32, #tpu.memory_space<vmem_shared>> -> memref<640x128xf32, #tpu.memory_space<vmem_shared>>
      tpu.wait_dma2 semaphore(%run_scoped3A : memref<!tpu.dma_semaphore, #tpu.memory_space<semaphore_mem>>) src(%arg5 : memref<640x128xf32, #tpu.memory_space<hbm>>) dst(%dma_wait3A_19 : memref<640x128xf32, #tpu.memory_space<vmem_shared>>)
      tpu.yield
    }) : () -> ()
    %barrier3A = arith.constant 0 : index
    tpu.barrier barrier_id(%barrier3A)
    %scan3A = arith.constant 0 : i32
    %scan3A_5 = arith.constant 0 : i32
    %scan3A_6 = arith.constant 128 : i32
    %scan3A_7 = arith.addi %scan3A_5, %scan3A_6 : i32
    %scan3A_8 = arith.constant 1 : i32
    scf.for %scan3A_18 = %scan3A_5 to %scan3A_7 step %scan3A_8  : i32 {
      %mul3A_19 = arith.constant 80 : i32
      %mul3A_20 = arith.muli %scan3A_18, %mul3A_19 : i32
      "tpu.region"() ({
        %run_scoped3A = tpu.sem_alloc : memref<!tpu.dma_semaphore, #tpu.memory_space<semaphore_mem>>
        %dma_start3A = tpu.memref_slice %arg7[%mul3A_20] : memref<10240xi32, #tpu.memory_space<vmem>> -> memref<80xi32, #tpu.memory_space<vmem>>
        %dma_start3A_21 = arith.constant 0 : i32
        %dma_start3A_22 = arith.constant 0 : i32
        %dma_start3A_23 = tpu.memref_slice %arg2[%dma_start3A_21, %dma_start3A_22] : memref<10240x128xf32, #tpu.memory_space<hbm>> -> memref<10240x128xf32, #tpu.memory_space<hbm>>
        tpu.enqueue_indirect_dma source(%dma_start3A_23 : memref<10240x128xf32, #tpu.memory_space<hbm>>) target(%arg9 : memref<80x128xf32, #tpu.memory_space<vmem>>) offsets(%dma_start3A : memref<80xi32, #tpu.memory_space<vmem>>) semaphore(%run_scoped3A : memref<!tpu.dma_semaphore, #tpu.memory_space<semaphore_mem>>)
        %dma_wait3A = tpu.memref_slice %arg7[%mul3A_20] : memref<10240xi32, #tpu.memory_space<vmem>> -> memref<80xi32, #tpu.memory_space<vmem>>
        %dma_wait3A_24 = arith.constant 0 : i32
        %dma_wait3A_25 = arith.constant 0 : i32
        %dma_wait3A_26 = tpu.memref_slice %arg2[%dma_wait3A_24, %dma_wait3A_25] : memref<10240x128xf32, #tpu.memory_space<hbm>> -> memref<10240x128xf32, #tpu.memory_space<hbm>>
        tpu.wait_indirect_dma semaphore(%run_scoped3A : memref<!tpu.dma_semaphore, #tpu.memory_space<semaphore_mem>>) src(%dma_wait3A_26 : memref<10240x128xf32, #tpu.memory_space<hbm>>) dst(%arg9 : memref<80x128xf32, #tpu.memory_space<vmem>>)
        tpu.yield
      }) : () -> ()
      "tpu.region"() ({
        %run_scoped3A = tpu.sem_alloc : memref<!tpu.dma_semaphore, #tpu.memory_space<semaphore_mem>>
        %dma_start3A = arith.constant 0 : i32
        %dma_start3A_21 = tpu.memref_slice %arg8[%scan3A_18, %dma_start3A] : memref<128x80xi32, #tpu.memory_space<vmem>> -> memref<1x80xi32, #tpu.memory_space<vmem>>
        %dma_start3A_22 = tpu.memref_squeeze %dma_start3A_21 : memref<1x80xi32, #tpu.memory_space<vmem>> -> memref<80xi32, #tpu.memory_space<vmem>>
        %dma_start3A_23 = arith.constant 0 : i32
        %dma_start3A_24 = arith.constant 0 : i32
        %dma_start3A_25 = tpu.memref_slice %arg10[%dma_start3A_23, %dma_start3A_24] : memref<10240x128xf32, #tpu.memory_space<vmem_shared>> -> memref<10240x128xf32, #tpu.memory_space<vmem_shared>>
        tpu.enqueue_indirect_dma source(%arg9 : memref<80x128xf32, #tpu.memory_space<vmem>>) target(%dma_start3A_25 : memref<10240x128xf32, #tpu.memory_space<vmem_shared>>) offsets(%dma_start3A_22 : memref<80xi32, #tpu.memory_space<vmem>>) semaphore(%run_scoped3A : memref<!tpu.dma_semaphore, #tpu.memory_space<semaphore_mem>>) {add = true}
        %dma_wait3A = arith.constant 0 : i32
        %dma_wait3A_26 = tpu.memref_slice %arg8[%scan3A_18, %dma_wait3A] : memref<128x80xi32, #tpu.memory_space<vmem>> -> memref<1x80xi32, #tpu.memory_space<vmem>>
        %dma_wait3A_27 = tpu.memref_squeeze %dma_wait3A_26 : memref<1x80xi32, #tpu.memory_space<vmem>> -> memref<80xi32, #tpu.memory_space<vmem>>
        %dma_wait3A_28 = arith.constant 0 : i32
        %dma_wait3A_29 = arith.constant 0 : i32
        %dma_wait3A_30 = tpu.memref_slice %arg10[%dma_wait3A_28, %dma_wait3A_29] : memref<10240x128xf32, #tpu.memory_space<vmem_shared>> -> memref<10240x128xf32, #tpu.memory_space<vmem_shared>>
        tpu.wait_indirect_dma semaphore(%run_scoped3A : memref<!tpu.dma_semaphore, #tpu.memory_space<semaphore_mem>>) src(%arg9 : memref<80x128xf32, #tpu.memory_space<vmem>>) dst(%dma_wait3A_30 : memref<10240x128xf32, #tpu.memory_space<vmem_shared>>)
        tpu.yield
      }) : () -> ()
    }
    %scan3A_9 = arith.constant 128 : i32
    %barrier3A_10 = arith.constant 0 : index
    tpu.barrier barrier_id(%barrier3A_10)
    %mul3A_11 = arith.constant 640 : i32
    %mul3A_12 = arith.muli %arg1, %mul3A_11 : i32
    %mul3A_13 = arith.constant 10240 : i32
    %mul3A_14 = arith.muli %arg0, %mul3A_13 : i32
    %mul3A_15 = arith.constant 640 : i32
    %mul3A_16 = arith.muli %arg1, %mul3A_15 : i32
    %add3A_17 = arith.addi %mul3A_14, %mul3A_16 : i32
    "tpu.region"() ({
      %run_scoped3A = tpu.sem_alloc : memref<!tpu.dma_semaphore, #tpu.memory_space<semaphore_mem>>
      %dma_start3A = arith.constant 0 : i32
      %dma_start3A_18 = tpu.memref_slice %arg6[%add3A_17, %dma_start3A] : memref<20480x128xf32, #tpu.memory_space<hbm>> -> memref<640x128xf32, #tpu.memory_space<hbm>>
      %dma_start3A_19 = arith.constant 0 : i32
      %dma_start3A_20 = tpu.memref_slice %arg10[%mul3A_12, %dma_start3A_19] : memref<10240x128xf32, #tpu.memory_space<vmem_shared>> -> memref<640x128xf32, #tpu.memory_space<vmem_shared>>
      tpu.enqueue_dma source(%dma_start3A_20 : memref<640x128xf32, #tpu.memory_space<vmem_shared>>) target(%dma_start3A_18 : memref<640x128xf32, #tpu.memory_space<hbm>>) target_semaphore(%run_scoped3A : memref<!tpu.dma_semaphore, #tpu.memory_space<semaphore_mem>>)
      %dma_wait3A = arith.constant 0 : i32
      %dma_wait3A_21 = tpu.memref_slice %arg6[%add3A_17, %dma_wait3A] : memref<20480x128xf32, #tpu.memory_space<hbm>> -> memref<640x128xf32, #tpu.memory_space<hbm>>
      %dma_wait3A_22 = arith.constant 0 : i32
      %dma_wait3A_23 = tpu.memref_slice %arg10[%mul3A_12, %dma_wait3A_22] : memref<10240x128xf32, #tpu.memory_space<vmem_shared>> -> memref<640x128xf32, #tpu.memory_space<vmem_shared>>
      tpu.wait_dma2 semaphore(%run_scoped3A : memref<!tpu.dma_semaphore, #tpu.memory_space<semaphore_mem>>) src(%dma_wait3A_23 : memref<640x128xf32, #tpu.memory_space<vmem_shared>>) dst(%dma_wait3A_21 : memref<640x128xf32, #tpu.memory_space<hbm>>)
      tpu.yield
    }) : () -> ()
    return
  }
}

#map = affine_map<(d0, d1) -> (0, 0)>
#map1 = affine_map<(d0, d1) -> (0)>
#map2 = affine_map<(d0, d1) -> (0, 0, 0)>
module attributes {stable_mosaic.version = 14 : i64} {
  func.func @k(%arg0: i32, %arg1: i32, %arg2: memref<10240x128xf32, #tpu.memory_space<hbm>>, %arg3: memref<327680xi32, #tpu.memory_space<hbm>>, %arg4: memref<32x128x80xi32, #tpu.memory_space<hbm>>, %arg5: memref<640x128xf32, #tpu.memory_space<hbm>>, %arg6: memref<20480x128xf32, #tpu.memory_space<hbm>>, %arg7: memref<10240xi32, #tpu.memory_space<vmem>>, %arg8: memref<128x80xi32, #tpu.memory_space<vmem>>, %arg9: memref<80x128xf32, #tpu.memory_space<vmem>>, %arg10: memref<10240x128xf32, #tpu.memory_space<vmem_shared>>) attributes {dimension_semantics = [#tpu.dimension_semantics<core_parallel>, #tpu.dimension_semantics<subcore_parallel>], iteration_bounds = array<i64: 2, 16>, scalar_prefetch = 0 : i64, scratch_operands = 4 : i64, tpu.core_type = #tpu.core_type<sc_vector_subcore>, window_params = [{transform_indices = #map}, {transform_indices = #map1}, {transform_indices = #map2}, {transform_indices = #map}, {transform_indices = #map}]} {
    %mul3A = arith.constant 16 : i32
    %mul3A_0 = arith.muli %arg0, %mul3A : i32
    %add3A = arith.addi %mul3A_0, %arg1 : i32
    %mul3A_1 = arith.constant 10240 : i32
    %mul3A_2 = arith.muli %add3A, %mul3A_1 : i32
    "tpu.region"() ({
      %run_scoped3A = tpu.sem_alloc : memref<!tpu.dma_semaphore, #tpu.memory_space<semaphore_mem>>
      %dma_start3A = tpu.memref_slice %arg3[%mul3A_2] : memref<327680xi32, #tpu.memory_space<hbm>> -> memref<10240xi32, #tpu.memory_space<hbm>>
      %dma_start3A_18 = tpu.memref_slice %arg3[%mul3A_2] : memref<327680xi32, #tpu.memory_space<hbm>> -> memref<10240xi32, #tpu.memory_space<hbm>>
      tpu.enqueue_dma source(%dma_start3A_18 : memref<10240xi32, #tpu.memory_space<hbm>>) target(%arg7 : memref<10240xi32, #tpu.memory_space<vmem>>) target_semaphore(%run_scoped3A : memref<!tpu.dma_semaphore, #tpu.memory_space<semaphore_mem>>)
      %dma_wait3A = tpu.memref_slice %arg3[%mul3A_2] : memref<327680xi32, #tpu.memory_space<hbm>> -> memref<10240xi32, #tpu.memory_space<hbm>>
      %dma_wait3A_19 = tpu.memref_slice %arg3[%mul3A_2] : memref<327680xi32, #tpu.memory_space<hbm>> -> memref<10240xi32, #tpu.memory_space<hbm>>
      tpu.wait_dma2 semaphore(%run_scoped3A : memref<!tpu.dma_semaphore, #tpu.memory_space<semaphore_mem>>) src(%dma_wait3A_19 : memref<10240xi32, #tpu.memory_space<hbm>>) dst(%arg7 : memref<10240xi32, #tpu.memory_space<vmem>>)
      tpu.yield
    }) : () -> ()
    "tpu.region"() ({
      %run_scoped3A = tpu.sem_alloc : memref<!tpu.dma_semaphore, #tpu.memory_space<semaphore_mem>>
      %dma_start3A = arith.constant 0 : i32
      %dma_start3A_18 = arith.constant 0 : i32
      %dma_start3A_19 = tpu.memref_slice %arg4[%add3A, %dma_start3A, %dma_start3A_18] : memref<32x128x80xi32, #tpu.memory_space<hbm>> -> memref<1x128x80xi32, #tpu.memory_space<hbm>>
      %dma_start3A_20 = tpu.memref_squeeze %dma_start3A_19 : memref<1x128x80xi32, #tpu.memory_space<hbm>> -> memref<128x80xi32, #tpu.memory_space<hbm>>
      %dma_start3A_21 = arith.constant 0 : i32
      %dma_start3A_22 = arith.constant 0 : i32
      %dma_start3A_23 = tpu.memref_slice %arg4[%add3A, %dma_start3A_21, %dma_start3A_22] : memref<32x128x80xi32, #tpu.memory_space<hbm>> -> memref<1x128x80xi32, #tpu.memory_space<hbm>>
      %dma_start3A_24 = tpu.memref_squeeze %dma_start3A_23 : memref<1x128x80xi32, #tpu.memory_space<hbm>> -> memref<128x80xi32, #tpu.memory_space<hbm>>
      tpu.enqueue_dma source(%dma_start3A_24 : memref<128x80xi32, #tpu.memory_space<hbm>>) target(%arg8 : memref<128x80xi32, #tpu.memory_space<vmem>>) target_semaphore(%run_scoped3A : memref<!tpu.dma_semaphore, #tpu.memory_space<semaphore_mem>>)
      %dma_wait3A = arith.constant 0 : i32
      %dma_wait3A_25 = arith.constant 0 : i32
      %dma_wait3A_26 = tpu.memref_slice %arg4[%add3A, %dma_wait3A, %dma_wait3A_25] : memref<32x128x80xi32, #tpu.memory_space<hbm>> -> memref<1x128x80xi32, #tpu.memory_space<hbm>>
      %dma_wait3A_27 = tpu.memref_squeeze %dma_wait3A_26 : memref<1x128x80xi32, #tpu.memory_space<hbm>> -> memref<128x80xi32, #tpu.memory_space<hbm>>
      %dma_wait3A_28 = arith.constant 0 : i32
      %dma_wait3A_29 = arith.constant 0 : i32
      %dma_wait3A_30 = tpu.memref_slice %arg4[%add3A, %dma_wait3A_28, %dma_wait3A_29] : memref<32x128x80xi32, #tpu.memory_space<hbm>> -> memref<1x128x80xi32, #tpu.memory_space<hbm>>
      %dma_wait3A_31 = tpu.memref_squeeze %dma_wait3A_30 : memref<1x128x80xi32, #tpu.memory_space<hbm>> -> memref<128x80xi32, #tpu.memory_space<hbm>>
      tpu.wait_dma2 semaphore(%run_scoped3A : memref<!tpu.dma_semaphore, #tpu.memory_space<semaphore_mem>>) src(%dma_wait3A_31 : memref<128x80xi32, #tpu.memory_space<hbm>>) dst(%arg8 : memref<128x80xi32, #tpu.memory_space<vmem>>)
      tpu.yield
    }) : () -> ()
    %mul3A_3 = arith.constant 640 : i32
    %mul3A_4 = arith.muli %arg1, %mul3A_3 : i32
    "tpu.region"() ({
      %run_scoped3A = tpu.sem_alloc : memref<!tpu.dma_semaphore, #tpu.memory_space<semaphore_mem>>
      %dma_start3A = arith.constant 0 : i32
      %dma_start3A_18 = tpu.memref_slice %arg10[%mul3A_4, %dma_start3A] : memref<10240x128xf32, #tpu.memory_space<vmem_shared>> -> memref<640x128xf32, #tpu.memory_space<vmem_shared>>
      tpu.enqueue_dma source(%arg5 : memref<640x128xf32, #tpu.memory_space<hbm>>) target(%dma_start3A_18 : memref<640x128xf32, #tpu.memory_space<vmem_shared>>) target_semaphore(%run_scoped3A : memref<!tpu.dma_semaphore, #tpu.memory_space<semaphore_mem>>)
      %dma_wait3A = arith.constant 0 : i32
      %dma_wait3A_19 = tpu.memref_slice %arg10[%mul3A_4, %dma_wait3A] : memref<10240x128xf32, #tpu.memory_space<vmem_shared>> -> memref<640x128xf32, #tpu.memory_space<vmem_shared>>
      tpu.wait_dma2 semaphore(%run_scoped3A : memref<!tpu.dma_semaphore, #tpu.memory_space<semaphore_mem>>) src(%arg5 : memref<640x128xf32, #tpu.memory_space<hbm>>) dst(%dma_wait3A_19 : memref<640x128xf32, #tpu.memory_space<vmem_shared>>)
      tpu.yield
    }) : () -> ()
    %barrier3A = arith.constant 0 : index
    tpu.barrier barrier_id(%barrier3A)
    %scan3A = arith.constant 0 : i32
    %scan3A_5 = arith.constant 0 : i32
    %scan3A_6 = arith.constant 128 : i32
    %scan3A_7 = arith.addi %scan3A_5, %scan3A_6 : i32
    %scan3A_8 = arith.constant 1 : i32
    scf.for %scan3A_18 = %scan3A_5 to %scan3A_7 step %scan3A_8  : i32 {
      %mul3A_19 = arith.constant 80 : i32
      %mul3A_20 = arith.muli %scan3A_18, %mul3A_19 : i32
      "tpu.region"() ({
        %run_scoped3A = tpu.sem_alloc : memref<!tpu.dma_semaphore, #tpu.memory_space<semaphore_mem>>
        %dma_start3A = tpu.memref_slice %arg7[%mul3A_20] : memref<10240xi32, #tpu.memory_space<vmem>> -> memref<80xi32, #tpu.memory_space<vmem>>
        %dma_start3A_21 = arith.constant 0 : i32
        %dma_start3A_22 = arith.constant 0 : i32
        %dma_start3A_23 = tpu.memref_slice %arg2[%dma_start3A_21, %dma_start3A_22] : memref<10240x128xf32, #tpu.memory_space<hbm>> -> memref<10240x128xf32, #tpu.memory_space<hbm>>
        tpu.enqueue_indirect_dma source(%dma_start3A_23 : memref<10240x128xf32, #tpu.memory_space<hbm>>) target(%arg9 : memref<80x128xf32, #tpu.memory_space<vmem>>) offsets(%dma_start3A : memref<80xi32, #tpu.memory_space<vmem>>) semaphore(%run_scoped3A : memref<!tpu.dma_semaphore, #tpu.memory_space<semaphore_mem>>)
        %dma_wait3A = tpu.memref_slice %arg7[%mul3A_20] : memref<10240xi32, #tpu.memory_space<vmem>> -> memref<80xi32, #tpu.memory_space<vmem>>
        %dma_wait3A_24 = arith.constant 0 : i32
        %dma_wait3A_25 = arith.constant 0 : i32
        %dma_wait3A_26 = tpu.memref_slice %arg2[%dma_wait3A_24, %dma_wait3A_25] : memref<10240x128xf32, #tpu.memory_space<hbm>> -> memref<10240x128xf32, #tpu.memory_space<hbm>>
        tpu.wait_indirect_dma semaphore(%run_scoped3A : memref<!tpu.dma_semaphore, #tpu.memory_space<semaphore_mem>>) src(%dma_wait3A_26 : memref<10240x128xf32, #tpu.memory_space<hbm>>) dst(%arg9 : memref<80x128xf32, #tpu.memory_space<vmem>>)
        tpu.yield
      }) : () -> ()
      "tpu.region"() ({
        %run_scoped3A = tpu.sem_alloc : memref<!tpu.dma_semaphore, #tpu.memory_space<semaphore_mem>>
        %dma_start3A = arith.constant 0 : i32
        %dma_start3A_21 = tpu.memref_slice %arg8[%scan3A_18, %dma_start3A] : memref<128x80xi32, #tpu.memory_space<vmem>> -> memref<1x80xi32, #tpu.memory_space<vmem>>
        %dma_start3A_22 = tpu.memref_squeeze %dma_start3A_21 : memref<1x80xi32, #tpu.memory_space<vmem>> -> memref<80xi32, #tpu.memory_space<vmem>>
        %dma_start3A_23 = arith.constant 0 : i32
        %dma_start3A_24 = arith.constant 0 : i32
        %dma_start3A_25 = tpu.memref_slice %arg10[%dma_start3A_23, %dma_start3A_24] : memref<10240x128xf32, #tpu.memory_space<vmem_shared>> -> memref<10240x128xf32, #tpu.memory_space<vmem_shared>>
        tpu.enqueue_indirect_dma source(%arg9 : memref<80x128xf32, #tpu.memory_space<vmem>>) target(%dma_start3A_25 : memref<10240x128xf32, #tpu.memory_space<vmem_shared>>) offsets(%dma_start3A_22 : memref<80xi32, #tpu.memory_space<vmem>>) semaphore(%run_scoped3A : memref<!tpu.dma_semaphore, #tpu.memory_space<semaphore_mem>>) {add = true}
        %dma_wait3A = arith.constant 0 : i32
        %dma_wait3A_26 = tpu.memref_slice %arg8[%scan3A_18, %dma_wait3A] : memref<128x80xi32, #tpu.memory_space<vmem>> -> memref<1x80xi32, #tpu.memory_space<vmem>>
        %dma_wait3A_27 = tpu.memref_squeeze %dma_wait3A_26 : memref<1x80xi32, #tpu.memory_space<vmem>> -> memref<80xi32, #tpu.memory_space<vmem>>
        %dma_wait3A_28 = arith.constant 0 : i32
        %dma_wait3A_29 = arith.constant 0 : i32
        %dma_wait3A_30 = tpu.memref_slice %arg10[%dma_wait3A_28, %dma_wait3A_29] : memref<10240x128xf32, #tpu.memory_space<vmem_shared>> -> memref<10240x128xf32, #tpu.memory_space<vmem_shared>>
        tpu.wait_indirect_dma semaphore(%run_scoped3A : memref<!tpu.dma_semaphore, #tpu.memory_space<semaphore_mem>>) src(%arg9 : memref<80x128xf32, #tpu.memory_space<vmem>>) dst(%dma_wait3A_30 : memref<10240x128xf32, #tpu.memory_space<vmem_shared>>)
        tpu.yield
      }) : () -> ()
    }
    %scan3A_9 = arith.constant 128 : i32
    %barrier3A_10 = arith.constant 0 : index
    tpu.barrier barrier_id(%barrier3A_10)
    %mul3A_11 = arith.constant 640 : i32
    %mul3A_12 = arith.muli %arg1, %mul3A_11 : i32
    %mul3A_13 = arith.constant 10240 : i32
    %mul3A_14 = arith.muli %arg0, %mul3A_13 : i32
    %mul3A_15 = arith.constant 640 : i32
    %mul3A_16 = arith.muli %arg1, %mul3A_15 : i32
    %add3A_17 = arith.addi %mul3A_14, %mul3A_16 : i32
    "tpu.region"() ({
      %run_scoped3A = tpu.sem_alloc : memref<!tpu.dma_semaphore, #tpu.memory_space<semaphore_mem>>
      %dma_start3A = arith.constant 0 : i32
      %dma_start3A_18 = tpu.memref_slice %arg6[%add3A_17, %dma_start3A] : memref<20480x128xf32, #tpu.memory_space<hbm>> -> memref<640x128xf32, #tpu.memory_space<hbm>>
      %dma_start3A_19 = arith.constant 0 : i32
      %dma_start3A_20 = tpu.memref_slice %arg10[%mul3A_12, %dma_start3A_19] : memref<10240x128xf32, #tpu.memory_space<vmem_shared>> -> memref<640x128xf32, #tpu.memory_space<vmem_shared>>
      tpu.enqueue_dma source(%dma_start3A_20 : memref<640x128xf32, #tpu.memory_space<vmem_shared>>) target(%dma_start3A_18 : memref<640x128xf32, #tpu.memory_space<hbm>>) target_semaphore(%run_scoped3A : memref<!tpu.dma_semaphore, #tpu.memory_space<semaphore_mem>>)
      %dma_wait3A = arith.constant 0 : i32
      %dma_wait3A_21 = tpu.memref_slice %arg6[%add3A_17, %dma_wait3A] : memref<20480x128xf32, #tpu.memory_space<hbm>> -> memref<640x128xf32, #tpu.memory_space<hbm>>
      %dma_wait3A_22 = arith.constant 0 : i32
      %dma_wait3A_23 = tpu.memref_slice %arg10[%mul3A_12, %dma_wait3A_22] : memref<10240x128xf32, #tpu.memory_space<vmem_shared>> -> memref<640x128xf32, #tpu.memory_space<vmem_shared>>
      tpu.wait_dma2 semaphore(%run_scoped3A : memref<!tpu.dma_semaphore, #tpu.memory_space<semaphore_mem>>) src(%dma_wait3A_23 : memref<640x128xf32, #tpu.memory_space<vmem_shared>>) dst(%dma_wait3A_21 : memref<640x128xf32, #tpu.memory_space<hbm>>)
      tpu.yield
    }) : () -> ()
    return
  }
}

module attributes {stable_mosaic.version = 14 : i64} {
  func.func @_ti_body(%arg0: i32, %arg1: memref<4000x1xf32, #tpu.memory_space<vmem>>, %arg2: memref<1x128xf32, #tpu.memory_space<vmem>>, %arg3: memref<1x128xf32, #tpu.memory_space<vmem>>, %arg4: memref<4000x128xf32, #tpu.memory_space<vmem>>) attributes {dimension_semantics = [#tpu.dimension_semantics<arbitrary>], iteration_bounds = array<i64: 80>, scalar_prefetch = 0 : i64, scratch_operands = 0 : i64, tpu.core_type = #tpu.core_type<tc>, window_params = [{transform_indices = @transform_0, window_bounds = array<i64: 4000, 1>}, {pipeline_mode = #tpu.pipeline_mode<synchronous>, transform_indices = @transform_1, window_bounds = array<i64: 1, 128>}, {pipeline_mode = #tpu.pipeline_mode<synchronous>, transform_indices = @transform_2, window_bounds = array<i64: 1, 128>}, {transform_indices = @transform_3, window_bounds = array<i64: 4000, 128>}]} {
    %get3A = arith.constant 0 : index
    %get3A_0 = arith.constant 0 : index
    %get3A_1 = vector.load %arg1[%get3A, %get3A_0] : memref<4000x1xf32, #tpu.memory_space<vmem>>, vector<4000x1xf32>
    %get3A_2 = arith.constant 0 : index
    %get3A_3 = arith.constant 0 : index
    %get3A_4 = vector.load %arg2[%get3A_2, %get3A_3] : memref<1x128xf32, #tpu.memory_space<vmem>>, vector<1x128xf32>
    %mul3A = vector.broadcast %get3A_1 : vector<4000x1xf32> to vector<4000x128xf32>
    %mul3A_5 = vector.broadcast %get3A_4 : vector<1x128xf32> to vector<4000x128xf32>
    %mul3A_6 = arith.mulf %mul3A, %mul3A_5 : vector<4000x128xf32>
    %get3A_7 = arith.constant 0 : index
    %get3A_8 = arith.constant 0 : index
    %get3A_9 = vector.load %arg3[%get3A_7, %get3A_8] : memref<1x128xf32, #tpu.memory_space<vmem>>, vector<1x128xf32>
    %add3A = vector.broadcast %get3A_9 : vector<1x128xf32> to vector<4000x128xf32>
    %add3A_10 = arith.addf %mul3A_6, %add3A : vector<4000x128xf32>
    %ge3A = arith.constant 0.000000e+00 : f32
    %ge3A_11 = vector.broadcast %ge3A : f32 to vector<4000x128xf32>
    %ge3A_12 = arith.cmpf oge, %add3A_10, %ge3A_11 : vector<4000x128xf32>
    %mul3A_13 = arith.constant 0.00999999977 : f32
    %mul3A_14 = vector.broadcast %mul3A_13 : f32 to vector<4000x128xf32>
    %mul3A_15 = arith.mulf %mul3A_14, %add3A_10 : vector<4000x128xf32>
    %select_n3A = arith.select %ge3A_12, %add3A_10, %mul3A_15 : vector<4000x128xi1>, vector<4000x128xf32>
    %swap3A = arith.constant 0 : index
    %swap3A_16 = arith.constant 0 : index
    %swap3A_17 = vector.load %arg4[%swap3A, %swap3A_16] : memref<4000x128xf32, #tpu.memory_space<vmem>>, vector<4000x128xf32>
    tpu.vector_store %arg4[%swap3A, %swap3A_16], %select_n3A {strides = array<i32>} : memref<4000x128xf32, #tpu.memory_space<vmem>>, vector<4000x128xf32>,
    return
  }
  func.func @transform_0(%arg0: i32) -> (i32, i32) {
    %c0_i32 = arith.constant 0 : i32
    %c0_i32_0 = arith.constant 0 : i32
    return %arg0, %c0_i32 : i32, i32
  }
  func.func @transform_1(%arg0: i32) -> (i32, i32) {
    %c0_i32 = arith.constant 0 : i32
    %c0_i32_0 = arith.constant 0 : i32
    %c0_i32_1 = arith.constant 0 : i32
    return %c0_i32, %c0_i32_0 : i32, i32
  }
  func.func @transform_2(%arg0: i32) -> (i32, i32) {
    %c0_i32 = arith.constant 0 : i32
    %c0_i32_0 = arith.constant 0 : i32
    %c0_i32_1 = arith.constant 0 : i32
    return %c0_i32, %c0_i32_0 : i32, i32
  }
  func.func @transform_3(%arg0: i32) -> (i32, i32) {
    %c0_i32 = arith.constant 0 : i32
    %c0_i32_0 = arith.constant 0 : i32
    return %arg0, %c0_i32 : i32, i32
  }
}

module attributes {stable_mosaic.version = 14 : i64} {
  func.func @_c_body(%arg0: i32, %arg1: memref<512x128xf32, #tpu.memory_space<vmem>>, %arg2: memref<512x128xf32, #tpu.memory_space<vmem>>, %arg3: memref<512x16xf32, #tpu.memory_space<vmem>>, %arg4: memref<128x128xf32, #tpu.memory_space<vmem>>, %arg5: memref<16x128xf32, #tpu.memory_space<vmem>>, %arg6: memref<1x128xf32, #tpu.memory_space<vmem>>, %arg7: memref<1x128xf32, #tpu.memory_space<vmem>>, %arg8: memref<512x128xf32, #tpu.memory_space<vmem>>) attributes {dimension_semantics = [#tpu.dimension_semantics<arbitrary>], iteration_bounds = array<i64: 20>, scalar_prefetch = 0 : i64, scratch_operands = 0 : i64, tpu.core_type = #tpu.core_type<tc>, window_params = [{transform_indices = @transform_0, window_bounds = array<i64: 512, 128>}, {transform_indices = @transform_1, window_bounds = array<i64: 512, 128>}, {transform_indices = @transform_2, window_bounds = array<i64: 512, 16>}, {pipeline_mode = #tpu.pipeline_mode<synchronous>, transform_indices = @transform_3, window_bounds = array<i64: 128, 128>}, {pipeline_mode = #tpu.pipeline_mode<synchronous>, transform_indices = @transform_4, window_bounds = array<i64: 16, 128>}, {pipeline_mode = #tpu.pipeline_mode<synchronous>, transform_indices = @transform_5, window_bounds = array<i64: 1, 128>}, {pipeline_mode = #tpu.pipeline_mode<synchronous>, transform_indices = @transform_6, window_bounds = array<i64: 1, 128>}, {transform_indices = @transform_7, window_bounds = array<i64: 512, 128>}]} {
    %get3A = arith.constant 0 : index
    %get3A_0 = arith.constant 0 : index
    %get3A_1 = vector.load %arg1[%get3A, %get3A_0] : memref<512x128xf32, #tpu.memory_space<vmem>>, vector<512x128xf32>
    %get3A_2 = arith.constant 0 : index
    %get3A_3 = arith.constant 0 : index
    %get3A_4 = vector.load %arg2[%get3A_2, %get3A_3] : memref<512x128xf32, #tpu.memory_space<vmem>>, vector<512x128xf32>
    %add3A = arith.addf %get3A_1, %get3A_4 : vector<512x128xf32>
    %get3A_5 = arith.constant 0 : index
    %get3A_6 = arith.constant 0 : index
    %get3A_7 = vector.load %arg4[%get3A_5, %get3A_6] : memref<128x128xf32, #tpu.memory_space<vmem>>, vector<128x128xf32>
    %dot_general3A = arith.constant dense<0.000000e+00> : vector<512x128xf32>
    %dot_general3A_8 = tpu.matmul %add3A, %get3A_7, %dot_general3A {dimension_numbers = #tpu.dot_dimension_numbers<[1], [0], [0], [1], [0, 0, 1, 1], [], []>, transpose_lhs_hint = false} : vector<512x128xf32>, vector<128x128xf32>, vector<512x128xf32> -> vector<512x128xf32>
    %get3A_9 = arith.constant 0 : index
    %get3A_10 = arith.constant 0 : index
    %get3A_11 = vector.load %arg3[%get3A_9, %get3A_10] : memref<512x16xf32, #tpu.memory_space<vmem>>, vector<512x16xf32>
    %get3A_12 = arith.constant 0 : index
    %get3A_13 = arith.constant 0 : index
    %get3A_14 = vector.load %arg5[%get3A_12, %get3A_13] : memref<16x128xf32, #tpu.memory_space<vmem>>, vector<16x128xf32>
    %dot_general3A_15 = arith.constant dense<0.000000e+00> : vector<512x128xf32>
    %dot_general3A_16 = tpu.matmul %get3A_11, %get3A_14, %dot_general3A_15 {dimension_numbers = #tpu.dot_dimension_numbers<[1], [0], [0], [1], [0, 0, 1, 1], [], []>, transpose_lhs_hint = false} : vector<512x16xf32>, vector<16x128xf32>, vector<512x128xf32> -> vector<512x128xf32>
    %add3A_17 = arith.addf %dot_general3A_8, %dot_general3A_16 : vector<512x128xf32>
    %get3A_18 = arith.constant 0 : index
    %get3A_19 = arith.constant 0 : index
    %get3A_20 = vector.load %arg6[%get3A_18, %get3A_19] : memref<1x128xf32, #tpu.memory_space<vmem>>, vector<1x128xf32>
    %add3A_21 = vector.broadcast %get3A_20 : vector<1x128xf32> to vector<512x128xf32>
    %add3A_22 = arith.addf %add3A_17, %add3A_21 : vector<512x128xf32>
    %get3A_23 = arith.constant 0 : index
    %get3A_24 = arith.constant 0 : index
    %get3A_25 = vector.load %arg7[%get3A_23, %get3A_24] : memref<1x128xf32, #tpu.memory_space<vmem>>, vector<1x128xf32>
    %add3A_26 = vector.broadcast %get3A_25 : vector<1x128xf32> to vector<512x128xf32>
    %add3A_27 = arith.addf %add3A_22, %add3A_26 : vector<512x128xf32>
    %swap3A = arith.constant 0 : index
    %swap3A_28 = arith.constant 0 : index
    %swap3A_29 = vector.load %arg8[%swap3A, %swap3A_28] : memref<512x128xf32, #tpu.memory_space<vmem>>, vector<512x128xf32>
    tpu.vector_store %arg8[%swap3A, %swap3A_28], %add3A_27 {strides = array<i32>} : memref<512x128xf32, #tpu.memory_space<vmem>>, vector<512x128xf32>,
    return
  }
  func.func @transform_0(%arg0: i32) -> (i32, i32) {
    %c0_i32 = arith.constant 0 : i32
    %c0_i32_0 = arith.constant 0 : i32
    return %arg0, %c0_i32 : i32, i32
  }
  func.func @transform_1(%arg0: i32) -> (i32, i32) {
    %add3A = arith.constant 20 : i32
    %add3A_0 = arith.addi %arg0, %add3A : i32
    %c0_i32 = arith.constant 0 : i32
    %c0_i32_1 = arith.constant 0 : i32
    return %add3A_0, %c0_i32 : i32, i32
  }
  func.func @transform_2(%arg0: i32) -> (i32, i32) {
    %c0_i32 = arith.constant 0 : i32
    %c0_i32_0 = arith.constant 0 : i32
    return %arg0, %c0_i32 : i32, i32
  }
  func.func @transform_3(%arg0: i32) -> (i32, i32) {
    %c0_i32 = arith.constant 0 : i32
    %c0_i32_0 = arith.constant 0 : i32
    %c0_i32_1 = arith.constant 0 : i32
    return %c0_i32, %c0_i32_0 : i32, i32
  }
  func.func @transform_4(%arg0: i32) -> (i32, i32) {
    %c0_i32 = arith.constant 0 : i32
    %c0_i32_0 = arith.constant 0 : i32
    %c0_i32_1 = arith.constant 0 : i32
    return %c0_i32, %c0_i32_0 : i32, i32
  }
  func.func @transform_5(%arg0: i32) -> (i32, i32) {
    %c0_i32 = arith.constant 0 : i32
    %c0_i32_0 = arith.constant 0 : i32
    %c0_i32_1 = arith.constant 0 : i32
    return %c0_i32, %c0_i32_0 : i32, i32
  }
  func.func @transform_6(%arg0: i32) -> (i32, i32) {
    %c0_i32 = arith.constant 0 : i32
    %c0_i32_0 = arith.constant 0 : i32
    %c0_i32_1 = arith.constant 0 : i32
    return %c0_i32, %c0_i32_0 : i32, i32
  }
  func.func @transform_7(%arg0: i32) -> (i32, i32) {
    %c0_i32 = arith.constant 0 : i32
    %c0_i32_0 = arith.constant 0 : i32
    return %arg0, %c0_i32 : i32, i32
  }
}

module attributes {stable_mosaic.version = 14 : i64} {
  func.func @_round_body(%arg0: i32, %arg1: memref<512x128xf32, #tpu.memory_space<vmem>>, %arg2: memref<512x128xf32, #tpu.memory_space<vmem>>, %arg3: memref<128x128xf32, #tpu.memory_space<vmem>>, %arg4: memref<512x128xf32, #tpu.memory_space<vmem>>, %arg5: memref<512x128xf32, #tpu.memory_space<vmem>>) attributes {dimension_semantics = [#tpu.dimension_semantics<arbitrary>], iteration_bounds = array<i64: 20>, scalar_prefetch = 0 : i64, scratch_operands = 0 : i64, tpu.core_type = #tpu.core_type<tc>, window_params = [{transform_indices = @transform_0, window_bounds = array<i64: 512, 128>}, {transform_indices = @transform_1, window_bounds = array<i64: 512, 128>}, {pipeline_mode = #tpu.pipeline_mode<synchronous>, transform_indices = @transform_2, window_bounds = array<i64: 128, 128>}, {transform_indices = @transform_3, window_bounds = array<i64: 512, 128>}, {transform_indices = @transform_4, window_bounds = array<i64: 512, 128>}]} {
    %get3A = arith.constant 0 : index
    %get3A_0 = arith.constant 0 : index
    %get3A_1 = vector.load %arg1[%get3A, %get3A_0] : memref<512x128xf32, #tpu.memory_space<vmem>>, vector<512x128xf32>
    %get3A_2 = arith.constant 0 : index
    %get3A_3 = arith.constant 0 : index
    %get3A_4 = vector.load %arg2[%get3A_2, %get3A_3] : memref<512x128xf32, #tpu.memory_space<vmem>>, vector<512x128xf32>
    %add3A = arith.addf %get3A_1, %get3A_4 : vector<512x128xf32>
    %get3A_5 = arith.constant 0 : index
    %get3A_6 = arith.constant 0 : index
    %get3A_7 = vector.load %arg3[%get3A_5, %get3A_6] : memref<128x128xf32, #tpu.memory_space<vmem>>, vector<128x128xf32>
    %dot_general3A = arith.constant dense<0.000000e+00> : vector<512x128xf32>
    %dot_general3A_8 = tpu.matmul %add3A, %get3A_7, %dot_general3A {dimension_numbers = #tpu.dot_dimension_numbers<[1], [0], [0], [1], [0, 0, 1, 1], [], []>, transpose_lhs_hint = false} : vector<512x128xf32>, vector<128x128xf32>, vector<512x128xf32> -> vector<512x128xf32>
    %get3A_9 = arith.constant 0 : index
    %get3A_10 = arith.constant 0 : index
    %get3A_11 = vector.load %arg4[%get3A_9, %get3A_10] : memref<512x128xf32, #tpu.memory_space<vmem>>, vector<512x128xf32>
    %add3A_12 = arith.addf %dot_general3A_8, %get3A_11 : vector<512x128xf32>
    %ge3A = arith.constant 0.000000e+00 : f32
    %ge3A_13 = vector.broadcast %ge3A : f32 to vector<512x128xf32>
    %ge3A_14 = arith.cmpf oge, %add3A_12, %ge3A_13 : vector<512x128xf32>
    %mul3A = arith.constant 0.00999999977 : f32
    %mul3A_15 = vector.broadcast %mul3A : f32 to vector<512x128xf32>
    %mul3A_16 = arith.mulf %mul3A_15, %add3A_12 : vector<512x128xf32>
    %select_n3A = arith.select %ge3A_14, %add3A_12, %mul3A_16 : vector<512x128xi1>, vector<512x128xf32>
    %swap3A = arith.constant 0 : index
    %swap3A_17 = arith.constant 0 : index
    %swap3A_18 = vector.load %arg5[%swap3A, %swap3A_17] : memref<512x128xf32, #tpu.memory_space<vmem>>, vector<512x128xf32>
    tpu.vector_store %arg5[%swap3A, %swap3A_17], %select_n3A {strides = array<i32>} : memref<512x128xf32, #tpu.memory_space<vmem>>, vector<512x128xf32>,
    return
  }
  func.func @transform_0(%arg0: i32) -> (i32, i32) {
    %c0_i32 = arith.constant 0 : i32
    %c0_i32_0 = arith.constant 0 : i32
    return %arg0, %c0_i32 : i32, i32
  }
  func.func @transform_1(%arg0: i32) -> (i32, i32) {
    %add3A = arith.constant 20 : i32
    %add3A_0 = arith.addi %arg0, %add3A : i32
    %c0_i32 = arith.constant 0 : i32
    %c0_i32_1 = arith.constant 0 : i32
    return %add3A_0, %c0_i32 : i32, i32
  }
  func.func @transform_2(%arg0: i32) -> (i32, i32) {
    %c0_i32 = arith.constant 0 : i32
    %c0_i32_0 = arith.constant 0 : i32
    %c0_i32_1 = arith.constant 0 : i32
    return %c0_i32, %c0_i32_0 : i32, i32
  }
  func.func @transform_3(%arg0: i32) -> (i32, i32) {
    %c0_i32 = arith.constant 0 : i32
    %c0_i32_0 = arith.constant 0 : i32
    return %arg0, %c0_i32 : i32, i32
  }
  func.func @transform_4(%arg0: i32) -> (i32, i32) {
    %c0_i32 = arith.constant 0 : i32
    %c0_i32_0 = arith.constant 0 : i32
    return %arg0, %c0_i32 : i32, i32
  }
}

module attributes {stable_mosaic.version = 14 : i64} {
  func.func @_final_body(%arg0: i32, %arg1: memref<512x128xf32, #tpu.memory_space<vmem>>, %arg2: memref<512x1xf32, #tpu.memory_space<vmem>>, %arg3: memref<128x1xf32, #tpu.memory_space<vmem>>, %arg4: memref<1x1xf32, #tpu.memory_space<vmem>>, %arg5: memref<16x1xf32, #tpu.memory_space<vmem>>, %arg6: memref<16x128xf32, #tpu.memory_space<vmem>>, %arg7: memref<16x1xf32, #tpu.memory_space<vmem>>) attributes {dimension_semantics = [#tpu.dimension_semantics<arbitrary>], iteration_bounds = array<i64: 20>, scalar_prefetch = 0 : i64, scratch_operands = 2 : i64, tpu.core_type = #tpu.core_type<tc>, window_params = [{transform_indices = @transform_0, window_bounds = array<i64: 512, 128>}, {transform_indices = @transform_1, window_bounds = array<i64: 512, 1>}, {pipeline_mode = #tpu.pipeline_mode<synchronous>, transform_indices = @transform_2, window_bounds = array<i64: 128, 1>}, {pipeline_mode = #tpu.pipeline_mode<synchronous>, transform_indices = @transform_3, window_bounds = array<i64: 1, 1>}, {pipeline_mode = #tpu.pipeline_mode<synchronous>, transform_indices = @transform_4, window_bounds = array<i64: 16, 1>}]} {
    %eq3A = arith.constant 0 : i32
    %eq3A_0 = arith.cmpi eq, %arg0, %eq3A : i32
    %convert_element_type3A = arith.extui %eq3A_0 : i1 to i32
    %cond3A = arith.constant 0 : i32
    %cond3A_1 = arith.cmpi ne, %convert_element_type3A, %cond3A : i32
    scf.if %cond3A_1 {
      %broadcast_in_dim3A_34 = arith.constant 0.000000e+00 : f32
      %broadcast_in_dim3A_35 = vector.broadcast %broadcast_in_dim3A_34 : f32 to vector<16x128xf32>
      %swap3A_36 = arith.constant 0 : index
      %swap3A_37 = arith.constant 0 : index
      %swap3A_38 = vector.load %arg6[%swap3A_36, %swap3A_37] : memref<16x128xf32, #tpu.memory_space<vmem>>, vector<16x128xf32>
      tpu.vector_store %arg6[%swap3A_36, %swap3A_37], %broadcast_in_dim3A_35 {strides = array<i32>} : memref<16x128xf32, #tpu.memory_space<vmem>>, vector<16x128xf32>,
      %broadcast_in_dim3A_39 = arith.constant 0.000000e+00 : f32
      %broadcast_in_dim3A_40 = vector.broadcast %broadcast_in_dim3A_39 : f32 to vector<16x1xf32>
      %swap3A_41 = arith.constant 0 : index
      %swap3A_42 = arith.constant 0 : index
      %swap3A_43 = vector.load %arg7[%swap3A_41, %swap3A_42] : memref<16x1xf32, #tpu.memory_space<vmem>>, vector<16x1xf32>
      tpu.vector_store %arg7[%swap3A_41, %swap3A_42], %broadcast_in_dim3A_40 {strides = array<i32>} : memref<16x1xf32, #tpu.memory_space<vmem>>, vector<16x1xf32>,
    } else {
    }
    %iota3A = tpu.iota {dimensions = array<i32: 1>} : vector<1x16xi32>
    %convert_element_type3A_2 = arith.sitofp %iota3A : vector<1x16xi32> to vector<1x16xf32>
    %get3A = arith.constant 0 : index
    %get3A_3 = arith.constant 0 : index
    %get3A_4 = vector.load %arg2[%get3A, %get3A_3] : memref<512x1xf32, #tpu.memory_space<vmem>>, vector<512x1xf32>
    %eq3A_5 = vector.broadcast %get3A_4 : vector<512x1xf32> to vector<512x16xf32>
    %eq3A_6 = vector.broadcast %convert_element_type3A_2 : vector<1x16xf32> to vector<512x16xf32>
    %eq3A_7 = arith.cmpf oeq, %eq3A_5, %eq3A_6 : vector<512x16xf32>
    %convert_element_type3A_8 = arith.extui %eq3A_7 : vector<512x16xi1> to vector<512x16xi32>
    %convert_element_type3A_9 = arith.sitofp %convert_element_type3A_8 : vector<512x16xi32> to vector<512x16xf32>
    %get3A_10 = arith.constant 0 : index
    %get3A_11 = arith.constant 0 : index
    %get3A_12 = vector.load %arg6[%get3A_10, %get3A_11] : memref<16x128xf32, #tpu.memory_space<vmem>>, vector<16x128xf32>
    %get3A_13 = arith.constant 0 : index
    %get3A_14 = arith.constant 0 : index
    %get3A_15 = vector.load %arg1[%get3A_13, %get3A_14] : memref<512x128xf32, #tpu.memory_space<vmem>>, vector<512x128xf32>
    %dot_general3A = arith.constant dense<0.000000e+00> : vector<16x128xf32>
    %dot_general3A_16 = tpu.matmul %convert_element_type3A_9, %get3A_15, %dot_general3A {dimension_numbers = #tpu.dot_dimension_numbers<[0], [0], [1], [1], [0, 1, 1, 1], [], []>, transpose_lhs_hint = false} : vector<512x16xf32>, vector<512x128xf32>, vector<16x128xf32> -> vector<16x128xf32>
    %add3A = arith.addf %get3A_12, %dot_general3A_16 : vector<16x128xf32>
    %swap3A = arith.constant 0 : index
    %swap3A_17 = arith.constant 0 : index
    %swap3A_18 = vector.load %arg6[%swap3A, %swap3A_17] : memref<16x128xf32, #tpu.memory_space<vmem>>, vector<16x128xf32>
    tpu.vector_store %arg6[%swap3A, %swap3A_17], %add3A {strides = array<i32>} : memref<16x128xf32, #tpu.memory_space<vmem>>, vector<16x128xf32>,
    %get3A_19 = arith.constant 0 : index
    %get3A_20 = arith.constant 0 : index
    %get3A_21 = vector.load %arg7[%get3A_19, %get3A_20] : memref<16x1xf32, #tpu.memory_space<vmem>>, vector<16x1xf32>
    %broadcast_in_dim3A = arith.constant 1.000000e+00 : f32
    %broadcast_in_dim3A_22 = vector.broadcast %broadcast_in_dim3A : f32 to vector<512x1xf32>
    %dot_general3A_23 = arith.constant dense<0.000000e+00> : vector<16x1xf32>
    %dot_general3A_24 = tpu.matmul %convert_element_type3A_9, %broadcast_in_dim3A_22, %dot_general3A_23 {dimension_numbers = #tpu.dot_dimension_numbers<[0], [0], [1], [1], [0, 1, 1, 1], [], []>, transpose_lhs_hint = false} : vector<512x16xf32>, vector<512x1xf32>, vector<16x1xf32> -> vector<16x1xf32>
    %add3A_25 = arith.addf %get3A_21, %dot_general3A_24 : vector<16x1xf32>
    %swap3A_26 = arith.constant 0 : index
    %swap3A_27 = arith.constant 0 : index
    %swap3A_28 = vector.load %arg7[%swap3A_26, %swap3A_27] : memref<16x1xf32, #tpu.memory_space<vmem>>, vector<16x1xf32>
    tpu.vector_store %arg7[%swap3A_26, %swap3A_27], %add3A_25 {strides = array<i32>} : memref<16x1xf32, #tpu.memory_space<vmem>>, vector<16x1xf32>,
    %eq3A_29 = arith.constant 19 : i32
    %eq3A_30 = arith.cmpi eq, %arg0, %eq3A_29 : i32
    %convert_element_type3A_31 = arith.extui %eq3A_30 : i1 to i32
    %cond3A_32 = arith.constant 0 : i32
    %cond3A_33 = arith.cmpi ne, %convert_element_type3A_31, %cond3A_32 : i32
    scf.if %cond3A_33 {
      %get3A_34 = arith.constant 0 : index
      %get3A_35 = arith.constant 0 : index
      %get3A_36 = vector.load %arg6[%get3A_34, %get3A_35] : memref<16x128xf32, #tpu.memory_space<vmem>>, vector<16x128xf32>
      %get3A_37 = arith.constant 0 : index
      %get3A_38 = arith.constant 0 : index
      %get3A_39 = vector.load %arg7[%get3A_37, %get3A_38] : memref<16x1xf32, #tpu.memory_space<vmem>>, vector<16x1xf32>
      %max3A = arith.constant 1.000000e+00 : f32
      %max3A_40 = vector.broadcast %max3A : f32 to vector<16x1xf32>
      %max3A_41 = arith.maximumf %get3A_39, %max3A_40 : vector<16x1xf32>
      %div3A = vector.broadcast %max3A_41 : vector<16x1xf32> to vector<16x128xf32>
      %div3A_42 = arith.divf %get3A_36, %div3A : vector<16x128xf32>
      %get3A_43 = arith.constant 0 : index
      %get3A_44 = arith.constant 0 : index
      %get3A_45 = vector.load %arg3[%get3A_43, %get3A_44] : memref<128x1xf32, #tpu.memory_space<vmem>>, vector<128x1xf32>
      %dot_general3A_46 = arith.constant dense<0.000000e+00> : vector<16x1xf32>
      %dot_general3A_47 = tpu.matmul %div3A_42, %get3A_45, %dot_general3A_46 {dimension_numbers = #tpu.dot_dimension_numbers<[1], [0], [0], [1], [0, 0, 1, 1], [], []>, transpose_lhs_hint = false} : vector<16x128xf32>, vector<128x1xf32>, vector<16x1xf32> -> vector<16x1xf32>
      %get3A_48 = arith.constant 0 : index
      %get3A_49 = arith.constant 0 : index
      %get3A_50 = vector.load %arg4[%get3A_48, %get3A_49] : memref<1x1xf32, #tpu.memory_space<vmem>>, vector<1x1xf32>
      %add3A_51 = vector.broadcast %get3A_50 : vector<1x1xf32> to vector<16x1xf32>
      %add3A_52 = arith.addf %dot_general3A_47, %add3A_51 : vector<16x1xf32>
      %neg3A = arith.constant 0.000000e+00 : f32
      %neg3A_53 = vector.broadcast %neg3A : f32 to vector<16x1xf32>
      %neg3A_54 = arith.subf %neg3A_53, %add3A_52 : vector<16x1xf32>
      %exp3A = math.exp %neg3A_54 : vector<16x1xf32>
      %add3A_55 = arith.constant 1.000000e+00 : f32
      %add3A_56 = vector.broadcast %add3A_55 : f32 to vector<16x1xf32>
      %add3A_57 = arith.addf %add3A_56, %exp3A : vector<16x1xf32>
      %div3A_58 = arith.constant 1.000000e+00 : f32
      %div3A_59 = vector.broadcast %div3A_58 : f32 to vector<16x1xf32>
      %div3A_60 = arith.divf %div3A_59, %add3A_57 : vector<16x1xf32>
      %swap3A_61 = arith.constant 0 : index
      %swap3A_62 = arith.constant 0 : index
      %swap3A_63 = vector.load %arg5[%swap3A_61, %swap3A_62] : memref<16x1xf32, #tpu.memory_space<vmem>>, vector<16x1xf32>
      tpu.vector_store %arg5[%swap3A_61, %swap3A_62], %div3A_60 {strides = array<i32>} : memref<16x1xf32, #tpu.memory_space<vmem>>, vector<16x1xf32>,
    } else {
    }
    return
  }
  func.func @transform_0(%arg0: i32) -> (i32, i32) {
    %c0_i32 = arith.constant 0 : i32
    %c0_i32_0 = arith.constant 0 : i32
    return %arg0, %c0_i32 : i32, i32
  }
  func.func @transform_1(%arg0: i32) -> (i32, i32) {
    %c0_i32 = arith.constant 0 : i32
    %c0_i32_0 = arith.constant 0 : i32
    return %arg0, %c0_i32 : i32, i32
  }
  func.func @transform_2(%arg0: i32) -> (i32, i32) {
    %c0_i32 = arith.constant 0 : i32
    %c0_i32_0 = arith.constant 0 : i32
    %c0_i32_1 = arith.constant 0 : i32
    return %c0_i32, %c0_i32_0 : i32, i32
  }
  func.func @transform_3(%arg0: i32) -> (i32, i32) {
    %c0_i32 = arith.constant 0 : i32
    %c0_i32_0 = arith.constant 0 : i32
    %c0_i32_1 = arith.constant 0 : i32
    return %c0_i32, %c0_i32_0 : i32, i32
  }
  func.func @transform_4(%arg0: i32) -> (i32, i32) {
    %c0_i32 = arith.constant 0 : i32
    %c0_i32_0 = arith.constant 0 : i32
    %c0_i32_1 = arith.constant 0 : i32
    return %c0_i32, %c0_i32_0 : i32, i32
  }
}

</mosaic_0001>

<sc_bundles>
// kernel: kernel.14.cloned.1.call-start
scs
__scs_entry_jumppad:
0x0: {  	(pc) =	sbr.rel $0x88, $3  }
0x1: {  	(tag) =	ssettag $0x0;
	lr =	simm.s32 $0x1  }
0x2: {  	[smem:$0x3F8C] =	sst lr;
	_ =	strace $0xD0000000  }
0x3: {  	_ = 	snop  }
0x4: {  	_ = 	snop  }
0x5: {  	_ = 	snop  }
0x6: {  	_ = 	snop  }
0x7: {  	_ = 	snop  }
__scs_overlays_trampoline_lowered:
0x8: {  	[smem:$0x3F9B] =	sst s0  }
0x9: {  	[smem:$0x3F9C] =	sst s1  }
0xa: {  	[smem:$0x3F9D] =	sst s2  }
0xb: {  	[smem:$0x3F9E] =	sst s3  }
0xc: {  	[smem:$0x3F9F] =	sst s4  }
0xd: {  	[smem:$0x3FA0] =	sst s5  }
0xe: {  	[smem:$0x3FA1] =	sst s6  }
0xf: {  	[smem:$0x3FA2] =	sst s7  }
0x10: {  	[smem:$0x3FA3] =	sst s8  }
0x11: {  	[smem:$0x3FA4] =	sst s9;
	s0 =	simm.s32 @!p0 $0x0  }
0x12: {  	s1 =	sld [smem:$0x3F8A];
	s0 =	simm.s32 @p0 $0x1  }
0x13: {  	[smem:$0x3FA5] =	sst s0;
	s0 =	simm.s32 @!p1 $0x0  }
0x14: {  	s2 =	sld [smem:$0x3F89];
	s0 =	simm.s32 @p1 $0x1  }
0x15: {  	[smem:$0x3FA6] =	sst s0;
	s0 =	simm.s32 @!p2 $0x0  }
0x16: {  	s3 =	sld [smem:$0x3FDB];
	s0 =	simm.s32 @p2 $0x1  }
0x17: {  	s4 =	simm.s32 $0x1BF5;
	[smem:$0x3FA8] =	sst s0  }
0x18: {  	s0 =	sld [smem:$0x3F8B];
	_ =	swait.ge [sflag:s4], $0x0  }
0x19: {  	s7 =	sld [smem:$0x3F8C]  }
0x1a: {  	s8 =	sadd.s32 $0xFFFFE003, lr  }
0x1b: {  	s9 =	sadd.s32 $0xFFFFFEF7, lr;
	s5 =	simm.s32 $0xFFFFFFFF;
	p2 =	slt.u32 s8, $0xFFFFF086  }
0x1c: {  	p1 =	slt.u32 s9, $0xF7A;
	s5 =	simm.s32 @!p2 $0x0  }
0x1d: {  	s5 =	simm.s32 @p1 $0x1;
	p0 =	seq.s32 s7, s2  }
0x1e: {  	s7 =	smul.u32 @!p0 $0xF7A, s2;
	p2 =	seq.s32 @!p0 s5, $0x0  }
0x1f: {  	s9 =	smul.u32 $0xF7A, s1;
	s8 =	simm.s32 @!p0 $0x1BF5;
	p2 =	por !p2, p0  }
0x20: {  	[sflag:s8] =	ssyncset.s32 @!p0 $0xFFFFF086;
	s6 =	sadd.s32 @!p0 s3, s7;
	s7 =	simm.s32 @!p0 $0x108  }
0x21: {  	s3 =	sadd.s32 s3, s9;
	s6 =	sadd.s32 @!p0 $0x88, s6;
	s7 =	simm.s32 @p2 $0x1082  }
0x22: {  	[simem:s7], [sflag:s8] =	dma.local @!p0 [hbm:s6], $0xF7A  }
0x23: {  	s9 =	sor.u32 $0xD0000000, s2;
	s6 =	simm.s32 $0x108;
	_ =	swait.ge @!p0 [sflag:s8], $0x0  }
0x24: {  	s3 =	sadd.s32 $0x88, s3;
	s6 =	simm.s32 @!p1 $0x1082;
	[sflag:s4] =	ssyncset.s32 $0xFFFFF086  }
0x25: {  	[simem:s6], [sflag:s4] =	dma.local [hbm:s3], $0xF7A  }
0x26: {  	[smem:$0x3F8C] =	sst s1;
	(tag) =	ssettag s2;
	_ =	strace s9  }
0x27: {  	s1 =	sld [smem:$0x3F9C]  }
0x28: {  	s2 =	sld [smem:$0x3F9D]  }
0x29: {  	s4 =	sld [smem:$0x3F9F]  }
0x2a: {  	p0 =	seq.s32 s5, $0x0;
	s5 =	sld [smem:$0x3FA0]  }
0x2b: {  	s6 =	sld [smem:$0x3FA1]  }
0x2c: {  	s7 =	sld [smem:$0x3FA2]  }
0x2d: {  	s3 =	simm.s32 $0x108;
	s8 =	sld [smem:$0x3FA3]  }
0x2e: {  	s3 =	simm.s32 @!p0 $0x1082;
	s9 =	sld [smem:$0x3FA4]  }
0x2f: {  	lr =	sadd.s32 s0, s3;
	s0 =	sld [smem:$0x3F9B]  }
0x30: {  	s3 =	sld [smem:$0x3F9E]  }
0x31: {  	[smem:$0x3FA7] =	sst s10  }
0x32: {  	s10 =	sld [smem:$0x3FA5];
	_ =	sdelay $0x3  }
0x33: {  	p0 =	seq.s32 s10, $0x1;
	s10 =	sld [smem:$0x3FA7];
	_ =	sdelay $0x3  }
0x34: {  	[smem:$0x3FA7] =	sst s10  }
0x35: {  	s10 =	sld [smem:$0x3FA6];
	_ =	sdelay $0x3  }
0x36: {  	p1 =	seq.s32 s10, $0x1;
	s10 =	sld [smem:$0x3FA7];
	_ =	sdelay $0x3  }
0x37: {  	[smem:$0x3FA7] =	sst s10  }
0x38: {  	s10 =	sld [smem:$0x3FA8]  }
0x39: {  	_ = 	snop;
	(pc) =	sbr.ind lr, $3  }
0x3a: {  	_ = 	snop  }
0x3b: {  	_ = 	snop  }
0x3c: {  	p2 =	seq.s32 s10, $0x1;
	s10 =	sld [smem:$0x3FA7]  }
0x3d: {  	_ =	shalt  }
0x3e: {  	_ =	shalt  }
0x3f: {  	_ =	shalt  }
0x40: {  	_ =	shalt  }
0x41: {  	_ =	shalt  }
0x42: {  	_ =	shalt  }
0x43: {  	_ =	shalt  }
0x44: {  	_ =	shalt  }
0x45: {  	_ =	shalt  }
0x46: {  	_ =	shalt  }
0x47: {  	_ =	shalt  }
0x48: {  	_ =	shalt  }
0x49: {  	_ =	shalt  }
0x4a: {  	_ =	shalt  }
0x4b: {  	_ =	shalt  }
0x4c: {  	_ =	shalt  }
0x4d: {  	_ =	shalt  }
0x4e: {  	_ =	shalt  }
0x4f: {  	_ =	shalt  }
0x50: {  	_ =	shalt  }
0x51: {  	_ =	shalt  }
0x52: {  	_ =	shalt  }
0x53: {  	_ =	shalt  }
0x54: {  	_ =	shalt  }
0x55: {  	_ =	shalt  }
0x56: {  	_ =	shalt  }
0x57: {  	_ =	shalt  }
0x58: {  	_ =	shalt  }
0x59: {  	_ =	shalt  }
0x5a: {  	_ =	shalt  }
0x5b: {  	_ =	shalt  }
0x5c: {  	_ =	shalt  }
0x5d: {  	_ =	shalt  }
0x5e: {  	_ =	shalt  }
0x5f: {  	_ =	shalt  }
0x60: {  	_ =	shalt  }
0x61: {  	_ =	shalt  }
0x62: {  	_ =	shalt  }
0x63: {  	_ =	shalt  }
0x64: {  	_ =	shalt  }
0x65: {  	_ =	shalt  }
0x66: {  	_ =	shalt  }
0x67: {  	_ =	shalt  }
0x68: {  	_ =	shalt  }
0x69: {  	_ =	shalt  }
0x6a: {  	_ =	shalt  }
0x6b: {  	_ =	shalt  }
0x6c: {  	_ =	shalt  }
0x6d: {  	_ =	shalt  }
0x6e: {  	_ =	shalt  }
0x6f: {  	_ =	shalt  }
0x70: {  	_ =	shalt  }
0x71: {  	_ =	shalt  }
0x72: {  	_ =	shalt  }
0x73: {  	_ =	shalt  }
0x74: {  	_ =	shalt  }
0x75: {  	_ =	shalt  }
0x76: {  	_ =	shalt  }
0x77: {  	_ =	shalt  }
0x78: {  	_ =	shalt  }
0x79: {  	_ =	shalt  }
0x7a: {  	_ =	shalt  }
0x7b: {  	_ =	shalt  }
0x7c: {  	_ =	shalt  }
0x7d: {  	_ =	shalt  }
0x7e: {  	_ =	shalt  }
0x7f: {  	_ =	shalt  }
0x80: {  	_ =	shalt  }
0x81: {  	_ =	shalt  }
0x82: {  	_ =	shalt  }
0x83: {  	_ =	shalt  }
0x84: {  	_ =	shalt  }
0x85: {  	_ =	shalt  }
0x86: {  	_ =	shalt  }
0x87: {  	_ =	shalt  }
.Lfunc_end0:
.L_simem_size_0:
called_computation_lowered:
.L_overlay_start_0:
0x88: {  	s2 =	sld [smem:$0x3FD9]  }
0x89: {  	s3 =	sld [smem:$0x3FFE];
	_ =	sdelay $0x1  }
0x8a: {  	s1 =	srdreg.scid  }
0x8b: {  	s0 =	sand.u32 $0x1, s1  }
0x8c: {  	s16 =	sshll.u32 s0, $0xA;
	s2 =	sadd.s32 s3, s2  }
0x8d: {  	s2 =	sadd.s32 s2, s16  }
0x8e: {  	[smem:$0x3FB3] =	sst s2  }
0x8f: {  	_ = 	snop  }
0x90: {  	(tm) =	ssettm $0x1  }
0x91: {  	s17 =	sld [smem:$0x3FFB];
	_ =	sdelay $0x3  }
0x92: {  	_ =	strace s17  }
0x93: {  	s2 =	sld [smem:$0x3FFC];
	_ =	sdelay $0x3  }
0x94: {  	_ =	strace s2  }
0x95: {  	s2 =	sld [smem:$0x3FFD];
	_ =	sdelay $0x3  }
0x96: {  	_ =	strace s2  }
0x97: {  	_ =	strace $0x8FFFFFFF  }
0x98: {  	s18 =	sld [smem:$0x3FDB];
	_ =	sdelay $0x1  }
0x99: {  	s19 =	simm.s32 $_scs_section_size  }
0x9a: {  	s4 =	simm.s32 $_size__tile_overlayer_lowered;
	s5 =	simm.s32 $_tile_overlayer_lowered  }
0x9b: {  	s22 =	simm.s32 $0x1BFF;
	s21 =	sshll.u32 s5, $0x1;
	s2 =	sadd.s32 s19, s18  }
0x9c: {  	s6 =	simm.s32 $0x0;
	s20 =	sshll.u32 s4, $0x1;
	s4 =	sadd.s32 s21, s2  }
0x9d: {  	[timem:s6], [sflag:s22] =	dma.local [hbm:s4], s20  }
0x9e: {  	_ =	swait.ge [sflag:s22], s20  }
0x9f: {  	s3 =	ssub.s32 $0x0, s20;
	[sflag:s22] =	ssyncset.done $0x0  }
0xa0: {  	[sflag:s22] =	ssyncadd.s32 s3;
	_ =	sdelay $0x1  }
0xa1: {  	s23 =	simm.s32 $0x1B8B  }
0xa2: {  	_ =	swait.ge [sflag:s23], $0x1  }
0xa3: {  	[sflag:s23] =	ssyncset.done $0x0  }
0xa4: {  	s25 =	simm.s32 $0x1B8E;
	s24 =	sld [smem:$0x3FFE];
	[sflag:s23] =	ssyncadd.s32 $0xFFFFFFFF  }
0xa5: {  	s26 =	simm.s32 $execute0_lowered;
	[smem:$0x3FD2] =	sst s25  }
0xa6: {  	s4 =	sshll.u32 s26, $0x1;
	_ =	strace $0x80000046;
	[dreg:$0x1] =	wrdreg $0xFFFFFFFF  }
0xa7: {  	s28 =	simm.s32 $_size_execute0_lowered;
	s2 =	sadd.s32 s2, s4;
	[dreg:$0x0] =	wrdreg $0x0  }
0xa8: {  	s4 =	sshll.u32 s28, $0x1;
	[dreg:$0x2] =	wrdreg s2  }
0xa9: {  	[dreg:$0x3] =	wrdreg s4  }
0xaa: {  	[dreg:$0x4] =	wrdreg $0xC0  }
0xab: {  	_ =	task [dreg:s6], $0x5FFFF  }
0xac: {  	[dreg:$0x1] =	wrdreg $0xFFFFFFFF  }
0xad: {  	[dreg:$0x0] =	wrdreg $0x60  }
0xae: {  	[dreg:$0x2] =	wrdreg s24  }
0xaf: {  	[dreg:$0x3] =	wrdreg $0x90000  }
0xb0: {  	[dreg:$0x4] =	wrdreg $0x9  }
0xb1: {  	_ =	task.clear_ibuf [dreg:s6], $0x5FFFF;
	_ =	strace $0x90000046  }
0xb2: {  	s29 =	simm.s32 $0x9;
	_ =	strace $0x80000048  }
0xb3: {  	_ =	swait.ge [sflag:s29], $0x1  }
0xb4: {  	[sflag:s29] =	ssyncadd.s32 $0xFFFFFFFF  }
0xb5: {  	_ =	strace $0x90000048  }
0xb6: {  	_ =	sfence  }
0xb7: {  	s30 =	sld [smem:$0x0];
	_ =	sdelay $0x2  }
0xb8: {  	s31 =	sshll.u32 s1, $0xD;
	s1 =	sshrl.u32 s1, $0x2  }
0xb9: {  	s3 =	sand.u32 $0x4000, s31;
	s1 =	sadd.s32 s1, s30  }
0xba: {  	s0 =	sor.u32 s3, s0;
	s1 =	sshll.u32 s1, $0x11  }
0xbb: {  	s0 =	sor.u32 s1, s0  }
0xbc: {  	s0 =	sadd.s32 $0x8F2B, s0  }
0xbd: {  	[sflag:s0] =	ssyncadd.remote.s32 $0x1  }
0xbe: {  	_ =	sfence.sel $0xFFFF  }
0xbf: {  	[dreg:$0x0] =	wrdreg $0xFFFFFFFF;
	(pc) =	sbr.abs _section_cstart, $3  }
0xc0: {  	[dreg:$0x1] =	wrdreg $0xFFFFFFFF  }
0xc1: {  	_ =	task.clear_ibuf [dreg:s6], $0x2FFFF;
	_ =	strace $0x9FFFFFFF  }
0xc2: {  	(tm) =	ssettm $0x7FFFFFFF  }
0xc3: {  	_ =	shalt  }
tec
execute0_lowered:
.L_overlay_start_1:
0x0: {  	(tag) =	ssettag $0x1  }
0x1: {  	s6 =	rddreg [dreg:$0x0]  }
0x2: {  	s1 =	rddreg [dreg:$0x1]  }
0x3: {  	s2 =	srdreg.scid;
	s0 =	rddreg [dreg:$0x2];
	s3 =	simm.s32 $0x0  }
0x4: {  	s13 =	simm.s32 $0x50;
	s5 =	sand.u32 $0x1, s2;
	s2 =	stileid.u32  }
0x5: {  	s14 =	simm.s32 $0x6800;
	s15 =	simm.s32 $0x0;
	s9 =	smul.u32 $0x2800, s2  }
0x6: {  	[smem:$0x7FF] =	sst s3;
	s4 =	sshll.u32 s5, $0x4;
	s10 =	smul.u32 $0x28000, s5  }
0x7: {  	_ =	strace $0x80000047;
	s11 =	ssub.s32 $0x2, s5;
	s12 =	smul.u32 $0x50000, s2  }
0x8: {  	s5 =	sadd.s32 $0x28200, s6;
	s31 =	sshll.u32 s2, $0x6;
	s7 =	sor.u32 s2, s4  }
0x9: {  	s4 =	sadd.s32 $0x500200, s6;
	s29 =	sshrl.u32 s11, $0x1;
	s8 =	smul.u32 $0x500, s7  }
0xa: {  	s7 =	sshll.u32 s7, $0xB;
	s9 =	sadd.s32 s9, s10;
	s10 =	ssub.s32 s11, s29  }
0xb: {  	s30 =	sshrl.u32 s12, $0x2;
	s11 =	sor.u32 $0x1C01, s31;
	s7 =	sadd.s32 s7, s6  }
0xc: {  	s9 =	sadd.s32 s9, s6;
	s12 =	sadd.s32 s30, s1;
	s8 =	sadd.s32 s8, s6  }
0xd: {  	s7 =	sadd.s32 $0xE200, s7;
	s12 =	sshrl.u32 s12, $0x3;
	s6 =	sadd.s32 $0x1E200, s8  }
0xe: {  	s8 =	sadd.s32 $0x2AA00, s9;
	s9 =	smax.u32 s10, $0x1;
	s10 =	simm.s32 $0x1  }
.LBB2_1:
0xf: {  	[tilespmem:s3], [sflag:$0x1] =	stream.linear.gather [hbm4b:s6+s3], $0x2800, $0x38;
	[tilespmem:$0x1D000] =	vst v63  }
0x10: {  	_ =	swait.ge [sflag:s10], $0x2800  }
0x11: {  	[sflag:s10] =	ssyncset.done $0x0  }
0x12: {  	s16 =	simm.s32 $0x2800;
	[sflag:s10] =	ssyncadd.s32 $0xFFFFD800  }
0x13: {  	[tilespmem:s16], [sflag:$0x1] =	stream.linear.gather [hbm4b:s7+s3], $0x4000, $0x38;
	[tilespmem:$0x1D000] =	vst v63  }
0x14: {  	_ =	swait.ge [sflag:s10], $0x4000  }
0x15: {  	[sflag:s10] =	ssyncset.done $0x0  }
0x16: {  	[sflag:s10] =	ssyncadd.s32 $0xFFFFC000  }
0x17: {  	[spmem:s12], [sflag:s11] =	dma.local [hbm:s5], $0x2800  }
0x18: {  	_ =	swait.ge [sflag:s10], $0x2800  }
0x19: {  	[sflag:s10] =	ssyncset.done $0x0  }
0x1a: {  	[sflag:s10] =	ssyncadd.s32 $0xFFFFD800  }
0x1b: {  	s17 =	simm.s32 $0x0;
	[bflag:$0x0] =	sbarrier.arrive $0xFFFF  }
0x1c: {  	[tilespmem:s14], [sflag:$0x1] =	stream.indirect.gather [hbm4b:s4+s13], $0x80, s17, s13, $0xb8;
	[tilespmem:$0x1D000] =	vst v63  }
0x1d: {  	_ =	swait.ge [sflag:s10], $0x2800  }
0x1e: {  	[sflag:s10] =	ssyncset.done $0x0  }
0x1f: {  	[sflag:s10] =	ssyncadd.s32 $0xFFFFD800  }
0x20: {  	[spmem:s1] =	stream.indirect.scatter.add.f32 [tilespmem:s14], [sflag:$0x1], $0x80, s16, s13, $0xb8;
	[tilespmem:$0x1D000] =	vst v63  }
0x21: {  	s18 =	simm.s32 $0x280;
	_ =	swait.ge [sflag:s10], $0x2800  }
0x22: {  	s17 =	simm.s32 $0x140;
	s16 =	simm.s32 $0x2880;
	[sflag:s10] =	ssyncset.done $0x0  }
.LBB2_2:
0x23: {  	s19 =	sshra.s32 s17, $0x2  }
0x24: {  	[sflag:s10] =	ssyncadd.s32 $0xFFFFD800;
	s17 =	smov.u32 s18;
	s20 =	sadd.s32 $0x140, s18  }
0x25: {  	[tilespmem:s14], [sflag:$0x1] =	stream.indirect.gather [hbm4b:s4+s13], $0x80, s19, s13, $0xb8;
	[tilespmem:$0x1D000] =	vst v63  }
0x26: {  	p0 =	sne.s32 s18, $0x9EC0;
	_ =	swait.ge [sflag:s10], $0x2800  }
.Ltmp0:
0x27: {  	[sflag:s10] =	ssyncset.done $0x0;
	(pc) =	sbr.rel @p0 .LBB2_2-.Ltmp0, $4  }
0x28: {  	[sflag:s10] =	ssyncadd.s32 $0xFFFFD800  }
0x29: {  	[spmem:s1] =	stream.indirect.scatter.add.f32 [tilespmem:s14], [sflag:$0x1], $0x80, s16, s13, $0xb8;
	[tilespmem:$0x1D000] =	vst v63  }
0x2a: {  	_ =	swait.ge [sflag:s10], $0x2800  }
0x2b: {  	s18 =	smov.u32 s20;
	s16 =	sadd.s32 $0x80, s16;
	[sflag:s10] =	ssyncset.done $0x0  }
0x2c: {  	s17 =	sshra.s32 s17, $0x2;
	[sflag:s10] =	ssyncadd.s32 $0xFFFFD800  }
0x2d: {  	[tilespmem:s14], [sflag:$0x1] =	stream.indirect.gather [hbm4b:s4+s13], $0x80, s17, s13, $0xb8;
	[tilespmem:$0x1D000] =	vst v63  }
0x2e: {  	_ =	swait.ge [sflag:s10], $0x2800  }
0x2f: {  	[sflag:s10] =	ssyncset.done $0x0  }
0x30: {  	[sflag:s10] =	ssyncadd.s32 $0xFFFFD800  }
0x31: {  	[spmem:s1] =	stream.indirect.scatter.add.f32 [tilespmem:s14], [sflag:$0x1], $0x80, s16, s13, $0xb8;
	[tilespmem:$0x1D000] =	vst v63  }
0x32: {  	_ =	swait.ge [sflag:s10], $0x2800  }
0x33: {  	s15 =	sadd.s32 $0x1, s15;
	[sflag:s10] =	ssyncset.done $0x0  }
0x34: {  	p0 =	sne.s32 s15, s9;
	[sflag:s10] =	ssyncadd.s32 $0xFFFFD800  }
.Ltmp1:
0x35: {  	[bflag:$0x0] =	sbarrier.arrive $0xFFFF;
	(pc) =	sbr.rel @p0 .LBB2_1-.Ltmp1, $4  }
0x36: {  	[hbm:s8], [sflag:s11] =	dma.local [spmem:s12], $0x2800  }
0x37: {  	_ =	swait.ge [sflag:s10], $0x2800  }
0x38: {  	[sflag:s10] =	ssyncset.done $0x0  }
0x39: {  	[sflag:s10] =	ssyncadd.s32 $0xFFFFD800  }
0x3a: {  	_ =	sfence.sel $0x180000  }
0x3b: {  	[bflag:$0x0] =	sbarrier.arrive $0xFFFF  }
0x3c: {  	p0 =	sne.s32 s2, $0x0;
	_ =	strace $0x90000047  }
0x3d: {  	s0 =	sadd.s32 @!p0 $0x100000, s0;
	[bflag:$0x2] =	sbarrier.arrive $0xFFFF  }
0x3e: {  	[sflag:s0] =	ssyncadd.tile.s32 @!p0 $0x1;
	_ =	shalt  }
.Lfunc_end2:
_tile_overlayer_lowered:
.L_overlay_start_2:
0x3f: {  	(tag) =	ssettag $0x2  }
0x40: {  	s0 =	rddreg [dreg:$0x0];
	s2 =	stileid.u32  }
0x41: {  	s1 =	rddreg [dreg:$0x1];
	p0 =	sne.s32 s2, $0x0  }
0x42: {  	s3 =	rddreg [dreg:$0x2];
	[bflag:$0x3] =	sbarrier.arrive $0xFFFF;
	s2 =	simm.s32 @!p0 $0x1C01  }
0x43: {  	[timem:s3], [sflag:s2] =	dma.local @!p0 [hbm:s0], s1  }
0x44: {  	s0 =	simm.s32 @!p0 $0x1  }
0x45: {  	_ =	swait.ge @!p0 [sflag:s0], s1  }
0x46: {  	s1 =	ssub.s32 @!p0 $0x0, s1;
	[sflag:s0] =	ssyncset.done @!p0 $0x0  }
0x47: {  	[sflag:s0] =	ssyncadd.s32 @!p0 s1  }
0x48: {  	[bflag:$0x3] =	sbarrier.arrive $0xFFFF  }
0x49: {  	_ =	shalt  }

// kernel: kernel.17.cloned.1.call-start
scs
__scs_entry_jumppad:
0x0: {  	(pc) =	sbr.rel $0x88, $3  }
0x1: {  	(tag) =	ssettag $0x0;
	lr =	simm.s32 $0x1  }
0x2: {  	[smem:$0x3F8C] =	sst lr;
	_ =	strace $0xD0000000  }
0x3: {  	_ = 	snop  }
0x4: {  	_ = 	snop  }
0x5: {  	_ = 	snop  }
0x6: {  	_ = 	snop  }
0x7: {  	_ = 	snop  }
__scs_overlays_trampoline_lowered:
0x8: {  	[smem:$0x3F9B] =	sst s0  }
0x9: {  	[smem:$0x3F9C] =	sst s1  }
0xa: {  	[smem:$0x3F9D] =	sst s2  }
0xb: {  	[smem:$0x3F9E] =	sst s3  }
0xc: {  	[smem:$0x3F9F] =	sst s4  }
0xd: {  	[smem:$0x3FA0] =	sst s5  }
0xe: {  	[smem:$0x3FA1] =	sst s6  }
0xf: {  	[smem:$0x3FA2] =	sst s7  }
0x10: {  	[smem:$0x3FA3] =	sst s8  }
0x11: {  	[smem:$0x3FA4] =	sst s9;
	s0 =	simm.s32 @!p0 $0x0  }
0x12: {  	s1 =	sld [smem:$0x3F8A];
	s0 =	simm.s32 @p0 $0x1  }
0x13: {  	[smem:$0x3FA5] =	sst s0;
	s0 =	simm.s32 @!p1 $0x0  }
0x14: {  	s2 =	sld [smem:$0x3F89];
	s0 =	simm.s32 @p1 $0x1  }
0x15: {  	[smem:$0x3FA6] =	sst s0;
	s0 =	simm.s32 @!p2 $0x0  }
0x16: {  	s3 =	sld [smem:$0x3FDB];
	s0 =	simm.s32 @p2 $0x1  }
0x17: {  	s4 =	simm.s32 $0x1BF5;
	[smem:$0x3FA8] =	sst s0  }
0x18: {  	s0 =	sld [smem:$0x3F8B];
	_ =	swait.ge [sflag:s4], $0x0  }
0x19: {  	s7 =	sld [smem:$0x3F8C]  }
0x1a: {  	s8 =	sadd.s32 $0xFFFFE003, lr  }
0x1b: {  	s9 =	sadd.s32 $0xFFFFFEF7, lr;
	s5 =	simm.s32 $0xFFFFFFFF;
	p2 =	slt.u32 s8, $0xFFFFF086  }
0x1c: {  	p1 =	slt.u32 s9, $0xF7A;
	s5 =	simm.s32 @!p2 $0x0  }
0x1d: {  	s5 =	simm.s32 @p1 $0x1;
	p0 =	seq.s32 s7, s2  }
0x1e: {  	s7 =	smul.u32 @!p0 $0xF7A, s2;
	p2 =	seq.s32 @!p0 s5, $0x0  }
0x1f: {  	s9 =	smul.u32 $0xF7A, s1;
	s8 =	simm.s32 @!p0 $0x1BF5;
	p2 =	por !p2, p0  }
0x20: {  	[sflag:s8] =	ssyncset.s32 @!p0 $0xFFFFF086;
	s6 =	sadd.s32 @!p0 s3, s7;
	s7 =	simm.s32 @!p0 $0x108  }
0x21: {  	s3 =	sadd.s32 s3, s9;
	s6 =	sadd.s32 @!p0 $0x88, s6;
	s7 =	simm.s32 @p2 $0x1082  }
0x22: {  	[simem:s7], [sflag:s8] =	dma.local @!p0 [hbm:s6], $0xF7A  }
0x23: {  	s9 =	sor.u32 $0xD0000000, s2;
	s6 =	simm.s32 $0x108;
	_ =	swait.ge @!p0 [sflag:s8], $0x0  }
0x24: {  	s3 =	sadd.s32 $0x88, s3;
	s6 =	simm.s32 @!p1 $0x1082;
	[sflag:s4] =	ssyncset.s32 $0xFFFFF086  }
0x25: {  	[simem:s6], [sflag:s4] =	dma.local [hbm:s3], $0xF7A  }
0x26: {  	[smem:$0x3F8C] =	sst s1;
	(tag) =	ssettag s2;
	_ =	strace s9  }
0x27: {  	s1 =	sld [smem:$0x3F9C]  }
0x28: {  	s2 =	sld [smem:$0x3F9D]  }
0x29: {  	s4 =	sld [smem:$0x3F9F]  }
0x2a: {  	p0 =	seq.s32 s5, $0x0;
	s5 =	sld [smem:$0x3FA0]  }
0x2b: {  	s6 =	sld [smem:$0x3FA1]  }
0x2c: {  	s7 =	sld [smem:$0x3FA2]  }
0x2d: {  	s3 =	simm.s32 $0x108;
	s8 =	sld [smem:$0x3FA3]  }
0x2e: {  	s3 =	simm.s32 @!p0 $0x1082;
	s9 =	sld [smem:$0x3FA4]  }
0x2f: {  	lr =	sadd.s32 s0, s3;
	s0 =	sld [smem:$0x3F9B]  }
0x30: {  	s3 =	sld [smem:$0x3F9E]  }
0x31: {  	[smem:$0x3FA7] =	sst s10  }
0x32: {  	s10 =	sld [smem:$0x3FA5];
	_ =	sdelay $0x3  }
0x33: {  	p0 =	seq.s32 s10, $0x1;
	s10 =	sld [smem:$0x3FA7];
	_ =	sdelay $0x3  }
0x34: {  	[smem:$0x3FA7] =	sst s10  }
0x35: {  	s10 =	sld [smem:$0x3FA6];
	_ =	sdelay $0x3  }
0x36: {  	p1 =	seq.s32 s10, $0x1;
	s10 =	sld [smem:$0x3FA7];
	_ =	sdelay $0x3  }
0x37: {  	[smem:$0x3FA7] =	sst s10  }
0x38: {  	s10 =	sld [smem:$0x3FA8]  }
0x39: {  	_ = 	snop;
	(pc) =	sbr.ind lr, $3  }
0x3a: {  	_ = 	snop  }
0x3b: {  	_ = 	snop  }
0x3c: {  	p2 =	seq.s32 s10, $0x1;
	s10 =	sld [smem:$0x3FA7]  }
0x3d: {  	_ =	shalt  }
0x3e: {  	_ =	shalt  }
0x3f: {  	_ =	shalt  }
0x40: {  	_ =	shalt  }
0x41: {  	_ =	shalt  }
0x42: {  	_ =	shalt  }
0x43: {  	_ =	shalt  }
0x44: {  	_ =	shalt  }
0x45: {  	_ =	shalt  }
0x46: {  	_ =	shalt  }
0x47: {  	_ =	shalt  }
0x48: {  	_ =	shalt  }
0x49: {  	_ =	shalt  }
0x4a: {  	_ =	shalt  }
0x4b: {  	_ =	shalt  }
0x4c: {  	_ =	shalt  }
0x4d: {  	_ =	shalt  }
0x4e: {  	_ =	shalt  }
0x4f: {  	_ =	shalt  }
0x50: {  	_ =	shalt  }
0x51: {  	_ =	shalt  }
0x52: {  	_ =	shalt  }
0x53: {  	_ =	shalt  }
0x54: {  	_ =	shalt  }
0x55: {  	_ =	shalt  }
0x56: {  	_ =	shalt  }
0x57: {  	_ =	shalt  }
0x58: {  	_ =	shalt  }
0x59: {  	_ =	shalt  }
0x5a: {  	_ =	shalt  }
0x5b: {  	_ =	shalt  }
0x5c: {  	_ =	shalt  }
0x5d: {  	_ =	shalt  }
0x5e: {  	_ =	shalt  }
0x5f: {  	_ =	shalt  }
0x60: {  	_ =	shalt  }
0x61: {  	_ =	shalt  }
0x62: {  	_ =	shalt  }
0x63: {  	_ =	shalt  }
0x64: {  	_ =	shalt  }
0x65: {  	_ =	shalt  }
0x66: {  	_ =	shalt  }
0x67: {  	_ =	shalt  }
0x68: {  	_ =	shalt  }
0x69: {  	_ =	shalt  }
0x6a: {  	_ =	shalt  }
0x6b: {  	_ =	shalt  }
0x6c: {  	_ =	shalt  }
0x6d: {  	_ =	shalt  }
0x6e: {  	_ =	shalt  }
0x6f: {  	_ =	shalt  }
0x70: {  	_ =	shalt  }
0x71: {  	_ =	shalt  }
0x72: {  	_ =	shalt  }
0x73: {  	_ =	shalt  }
0x74: {  	_ =	shalt  }
0x75: {  	_ =	shalt  }
0x76: {  	_ =	shalt  }
0x77: {  	_ =	shalt  }
0x78: {  	_ =	shalt  }
0x79: {  	_ =	shalt  }
0x7a: {  	_ =	shalt  }
0x7b: {  	_ =	shalt  }
0x7c: {  	_ =	shalt  }
0x7d: {  	_ =	shalt  }
0x7e: {  	_ =	shalt  }
0x7f: {  	_ =	shalt  }
0x80: {  	_ =	shalt  }
0x81: {  	_ =	shalt  }
0x82: {  	_ =	shalt  }
0x83: {  	_ =	shalt  }
0x84: {  	_ =	shalt  }
0x85: {  	_ =	shalt  }
0x86: {  	_ =	shalt  }
0x87: {  	_ =	shalt  }
.Lfunc_end0:
.L_simem_size_0:
called_computation.1_lowered:
.L_overlay_start_0:
0x88: {  	s2 =	sld [smem:$0x3FD9]  }
0x89: {  	s3 =	sld [smem:$0x3FFE];
	_ =	sdelay $0x1  }
0x8a: {  	s1 =	srdreg.scid  }
0x8b: {  	s0 =	sand.u32 $0x1, s1  }
0x8c: {  	s17 =	sshll.u32 s0, $0xA;
	s2 =	sadd.s32 s3, s2  }
0x8d: {  	s2 =	sadd.s32 s2, s17  }
0x8e: {  	[smem:$0x3FB3] =	sst s2  }
0x8f: {  	_ = 	snop  }
0x90: {  	(tm) =	ssettm $0x1  }
0x91: {  	s18 =	sld [smem:$0x3FFB];
	_ =	sdelay $0x3  }
0x92: {  	_ =	strace s18  }
0x93: {  	s2 =	sld [smem:$0x3FFC];
	_ =	sdelay $0x3  }
0x94: {  	_ =	strace s2  }
0x95: {  	s2 =	sld [smem:$0x3FFD];
	_ =	sdelay $0x3  }
0x96: {  	_ =	strace s2  }
0x97: {  	_ =	strace $0x8FFFFFFF  }
0x98: {  	s19 =	sld [smem:$0x3FDB];
	_ =	sdelay $0x1  }
0x99: {  	s20 =	simm.s32 $_scs_section_size  }
0x9a: {  	s4 =	simm.s32 $_size__tile_overlayer_lowered;
	s5 =	simm.s32 $_tile_overlayer_lowered  }
0x9b: {  	s6 =	simm.s32 $0x1BFF;
	s21 =	sshll.u32 s5, $0x1;
	s3 =	sadd.s32 s20, s19  }
0x9c: {  	s22 =	simm.s32 $0x0;
	s4 =	sshll.u32 s4, $0x1;
	s5 =	sadd.s32 s21, s3  }
0x9d: {  	[timem:s22], [sflag:s6] =	dma.local [hbm:s5], s4  }
0x9e: {  	_ =	swait.ge [sflag:s6], s4  }
0x9f: {  	s4 =	ssub.s32 $0x0, s4;
	[sflag:s6] =	ssyncset.done $0x0  }
0xa0: {  	[sflag:s6] =	ssyncadd.s32 s4;
	_ =	sdelay $0x1  }
0xa1: {  	s23 =	simm.s32 $0x1B8B  }
0xa2: {  	_ =	swait.ge [sflag:s23], $0x1  }
0xa3: {  	[sflag:s23] =	ssyncset.done $0x0  }
0xa4: {  	[sflag:s23] =	ssyncadd.s32 $0xFFFFFFFF  }
0xa5: {  	s4 =	sld [smem:$0x0]  }
0xa6: {  	s5 =	sand.u32 $0xFFFFFFFE, s1  }
0xa7: {  	p0 =	sne.s32 s1, s5  }
0xa8: {  	s5 =	sshll.u32 @p0 s5, $0xE  }
0xa9: {  	s5 =	sadd.s32 @p0 $0x11B8D, s5;
	s6 =	sshll.u32 @p0 s4, $0x11  }
0xaa: {  	s5 =	sor.u32 @p0 s6, s5  }
0xab: {  	[sflag:s5] =	ssyncadd.remote.s32 @p0 $0x1;
	_ =	sdelay $0x1  }
0xac: {  	s5 =	simm.s32 @p0 $0x1B8D  }
0xad: {  	_ =	swait.eq @p0 [sflag:s5], $0x1  }
0xae: {  	[sflag:s5] =	ssyncadd.s32 @p0 $0xFFFFFFFF  }
0xaf: {  	s6 =	sshll.u32 @!p0 s1, $0xE  }
0xb0: {  	s6 =	sor.u32 @!p0 $0x4000, s6;
	s5 =	simm.s32 @!p0 $0x1B8D  }
0xb1: {  	s4 =	sshll.u32 @!p0 s4, $0x11;
	s6 =	sadd.s32 @!p0 $0x11B8D, s6;
	_ =	swait.eq @!p0 [sflag:s5], $0x1  }
0xb2: {  	s4 =	sor.u32 @!p0 s4, s6;
	[sflag:s5] =	ssyncadd.s32 @!p0 $0xFFFFFFFF  }
0xb3: {  	s25 =	simm.s32 $0x1B8E;
	s24 =	sld [smem:$0x3FFE];
	[sflag:s4] =	ssyncadd.remote.s32 @!p0 $0x1  }
0xb4: {  	s26 =	simm.s32 $execute0_lowered;
	[smem:$0x3FD2] =	sst s25  }
0xb5: {  	s5 =	sshll.u32 s26, $0x1;
	_ =	strace $0x80000049;
	[dreg:$0x1] =	wrdreg $0xFFFFFFFF  }
0xb6: {  	s28 =	simm.s32 $_size_execute0_lowered;
	s3 =	sadd.s32 s3, s5;
	[dreg:$0x0] =	wrdreg $0x0  }
0xb7: {  	s5 =	sshll.u32 s28, $0x1;
	[dreg:$0x2] =	wrdreg s3  }
0xb8: {  	[dreg:$0x3] =	wrdreg s5  }
0xb9: {  	[dreg:$0x4] =	wrdreg $0xC0  }
0xba: {  	_ =	task [dreg:s22], $0x5FFFF  }
0xbb: {  	[dreg:$0x1] =	wrdreg $0xFFFFFFFF  }
0xbc: {  	[dreg:$0x0] =	wrdreg $0x60  }
0xbd: {  	[dreg:$0x2] =	wrdreg s24  }
0xbe: {  	[dreg:$0x3] =	wrdreg $0x90000  }
0xbf: {  	[dreg:$0x4] =	wrdreg $0xA  }
0xc0: {  	_ =	task.clear_ibuf [dreg:s22], $0x5FFFF;
	_ =	strace $0x90000049  }
0xc1: {  	s29 =	simm.s32 $0xA;
	_ =	strace $0x8000004B  }
0xc2: {  	_ =	swait.ge [sflag:s29], $0x1  }
0xc3: {  	[sflag:s29] =	ssyncadd.s32 $0xFFFFFFFF  }
0xc4: {  	_ =	strace $0x9000004B  }
0xc5: {  	_ =	sfence  }
0xc6: {  	s30 =	sld [smem:$0x0];
	_ =	sdelay $0x2  }
0xc7: {  	s31 =	sshll.u32 s1, $0xD;
	s1 =	sshrl.u32 s1, $0x2  }
0xc8: {  	s4 =	sand.u32 $0x4000, s31;
	s1 =	sadd.s32 s1, s30  }
0xc9: {  	s0 =	sor.u32 s4, s0;
	s1 =	sshll.u32 s1, $0x11  }
0xca: {  	s0 =	sor.u32 s1, s0  }
0xcb: {  	s0 =	sadd.s32 $0x8F2B, s0  }
0xcc: {  	[sflag:s0] =	ssyncadd.remote.s32 $0x1  }
0xcd: {  	_ =	sfence.sel $0xFFFF  }
0xce: {  	[dreg:$0x0] =	wrdreg $0xFFFFFFFF;
	(pc) =	sbr.abs _section_cstart, $3  }
0xcf: {  	[dreg:$0x1] =	wrdreg $0xFFFFFFFF  }
0xd0: {  	_ =	task.clear_ibuf [dreg:s22], $0x2FFFF;
	_ =	strace $0x9FFFFFFF  }
0xd1: {  	(tm) =	ssettm $0x7FFFFFFF  }
tec
execute0_lowered:
.L_overlay_start_1:
0x0: {  	(tag) =	ssettag $0x1  }
0x1: {  	s0 =	srdreg.scid;
	s6 =	rddreg [dreg:$0x0]  }
0x2: {  	s2 =	rddreg [dreg:$0x1];
	s1 =	stileid.u32;
	s3 =	simm.s32 $0x0  }
0x3: {  	s13 =	simm.s32 $0x50;
	s14 =	simm.s32 $0x6800;
	s15 =	simm.s32 $0x0  }
0x4: {  	s5 =	sand.u32 $0x1, s0;
	s0 =	rddreg [dreg:$0x2];
	s9 =	smul.u32 $0x2800, s1  }
0x5: {  	[smem:$0x7FF] =	sst s3;
	s12 =	smul.u32 $0x50000, s1;
	s31 =	sshll.u32 s1, $0x6  }
0x6: {  	s4 =	sshll.u32 s5, $0x4;
	_ =	strace $0x8000004A;
	s10 =	smul.u32 $0x28000, s5  }
0x7: {  	s11 =	ssub.s32 $0x2, s5;
	s5 =	sadd.s32 $0x28200, s6;
	s7 =	sor.u32 s1, s4  }
0x8: {  	s4 =	sadd.s32 $0x7AA00, s6;
	s29 =	sshrl.u32 s11, $0x1;
	s30 =	sshrl.u32 s12, $0x2  }
0x9: {  	s8 =	smul.u32 $0x500, s7;
	s7 =	sshll.u32 s7, $0xB;
	s9 =	sadd.s32 s9, s10  }
0xa: {  	s10 =	ssub.s32 s11, s29;
	s12 =	sadd.s32 s30, s2;
	s11 =	sor.u32 $0x1C01, s31  }
0xb: {  	s7 =	sadd.s32 s7, s6;
	s9 =	sadd.s32 s9, s6;
	s8 =	sadd.s32 s8, s6  }
0xc: {  	s12 =	sshrl.u32 s12, $0x3;
	s7 =	sadd.s32 $0xE200, s7;
	s6 =	sadd.s32 $0xA2A00, s8  }
0xd: {  	s8 =	sadd.s32 $0xACA00, s9;
	s9 =	smax.u32 s10, $0x1;
	s10 =	simm.s32 $0x1  }
.LBB2_1:
0xe: {  	[tilespmem:s3], [sflag:$0x1] =	stream.linear.gather [hbm4b:s6+s3], $0x2800, $0x38;
	[tilespmem:$0x1D000] =	vst v63  }
0xf: {  	_ =	swait.ge [sflag:s10], $0x2800  }
0x10: {  	[sflag:s10] =	ssyncset.done $0x0  }
0x11: {  	s16 =	simm.s32 $0x2800;
	[sflag:s10] =	ssyncadd.s32 $0xFFFFD800  }
0x12: {  	[tilespmem:s16], [sflag:$0x1] =	stream.linear.gather [hbm4b:s7+s3], $0x4000, $0x38;
	[tilespmem:$0x1D000] =	vst v63  }
0x13: {  	_ =	swait.ge [sflag:s10], $0x4000  }
0x14: {  	[sflag:s10] =	ssyncset.done $0x0  }
0x15: {  	[sflag:s10] =	ssyncadd.s32 $0xFFFFC000  }
0x16: {  	[spmem:s12], [sflag:s11] =	dma.local [hbm:s5], $0x2800  }
0x17: {  	_ =	swait.ge [sflag:s10], $0x2800  }
0x18: {  	[sflag:s10] =	ssyncset.done $0x0  }
0x19: {  	[sflag:s10] =	ssyncadd.s32 $0xFFFFD800  }
0x1a: {  	s17 =	simm.s32 $0x0;
	[bflag:$0x0] =	sbarrier.arrive $0xFFFF  }
0x1b: {  	[tilespmem:s14], [sflag:$0x1] =	stream.indirect.gather [hbm4b:s4+s13], $0x80, s17, s13, $0xb8;
	[tilespmem:$0x1D000] =	vst v63  }
0x1c: {  	_ =	swait.ge [sflag:s10], $0x2800  }
0x1d: {  	[sflag:s10] =	ssyncset.done $0x0  }
0x1e: {  	[sflag:s10] =	ssyncadd.s32 $0xFFFFD800  }
0x1f: {  	[spmem:s2] =	stream.indirect.scatter.add.f32 [tilespmem:s14], [sflag:$0x1], $0x80, s16, s13, $0xb8;
	[tilespmem:$0x1D000] =	vst v63  }
0x20: {  	s18 =	simm.s32 $0x280;
	_ =	swait.ge [sflag:s10], $0x2800  }
0x21: {  	s17 =	simm.s32 $0x140;
	s16 =	simm.s32 $0x2880;
	[sflag:s10] =	ssyncset.done $0x0  }
.LBB2_2:
0x22: {  	s19 =	sshra.s32 s17, $0x2  }
0x23: {  	[sflag:s10] =	ssyncadd.s32 $0xFFFFD800;
	s17 =	smov.u32 s18;
	s20 =	sadd.s32 $0x140, s18  }
0x24: {  	[tilespmem:s14], [sflag:$0x1] =	stream.indirect.gather [hbm4b:s4+s13], $0x80, s19, s13, $0xb8;
	[tilespmem:$0x1D000] =	vst v63  }
0x25: {  	p0 =	sne.s32 s18, $0x9EC0;
	_ =	swait.ge [sflag:s10], $0x2800  }
.Ltmp0:
0x26: {  	[sflag:s10] =	ssyncset.done $0x0;
	(pc) =	sbr.rel @p0 .LBB2_2-.Ltmp0, $4  }
0x27: {  	[sflag:s10] =	ssyncadd.s32 $0xFFFFD800  }
0x28: {  	[spmem:s2] =	stream.indirect.scatter.add.f32 [tilespmem:s14], [sflag:$0x1], $0x80, s16, s13, $0xb8;
	[tilespmem:$0x1D000] =	vst v63  }
0x29: {  	_ =	swait.ge [sflag:s10], $0x2800  }
0x2a: {  	s18 =	smov.u32 s20;
	s16 =	sadd.s32 $0x80, s16;
	[sflag:s10] =	ssyncset.done $0x0  }
0x2b: {  	s17 =	sshra.s32 s17, $0x2;
	[sflag:s10] =	ssyncadd.s32 $0xFFFFD800  }
0x2c: {  	[tilespmem:s14], [sflag:$0x1] =	stream.indirect.gather [hbm4b:s4+s13], $0x80, s17, s13, $0xb8;
	[tilespmem:$0x1D000] =	vst v63  }
0x2d: {  	_ =	swait.ge [sflag:s10], $0x2800  }
0x2e: {  	[sflag:s10] =	ssyncset.done $0x0  }
0x2f: {  	[sflag:s10] =	ssyncadd.s32 $0xFFFFD800  }
0x30: {  	[spmem:s2] =	stream.indirect.scatter.add.f32 [tilespmem:s14], [sflag:$0x1], $0x80, s16, s13, $0xb8;
	[tilespmem:$0x1D000] =	vst v63  }
0x31: {  	_ =	swait.ge [sflag:s10], $0x2800  }
0x32: {  	s15 =	sadd.s32 $0x1, s15;
	[sflag:s10] =	ssyncset.done $0x0  }
0x33: {  	p0 =	sne.s32 s15, s9;
	[sflag:s10] =	ssyncadd.s32 $0xFFFFD800  }
.Ltmp1:
0x34: {  	[bflag:$0x0] =	sbarrier.arrive $0xFFFF;
	(pc) =	sbr.rel @p0 .LBB2_1-.Ltmp1, $4  }
0x35: {  	[hbm:s8], [sflag:s11] =	dma.local [spmem:s12], $0x2800  }
0x36: {  	_ =	swait.ge [sflag:s10], $0x2800  }
0x37: {  	[sflag:s10] =	ssyncset.done $0x0  }
0x38: {  	[sflag:s10] =	ssyncadd.s32 $0xFFFFD800  }
0x39: {  	_ =	sfence.sel $0x180000  }
0x3a: {  	[bflag:$0x0] =	sbarrier.arrive $0xFFFF  }
0x3b: {  	p0 =	sne.s32 s1, $0x0;
	_ =	strace $0x9000004A  }
0x3c: {  	s0 =	sadd.s32 @!p0 $0x100000, s0;
	[bflag:$0x2] =	sbarrier.arrive $0xFFFF  }
0x3d: {  	[sflag:s0] =	ssyncadd.tile.s32 @!p0 $0x1;
	_ =	shalt  }
.Lfunc_end2:
_tile_overlayer_lowered:
.L_overlay_start_2:
0x3e: {  	(tag) =	ssettag $0x2  }
0x3f: {  	s0 =	rddreg [dreg:$0x0];
	s2 =	stileid.u32  }
0x40: {  	s1 =	rddreg [dreg:$0x1];
	p0 =	sne.s32 s2, $0x0  }
0x41: {  	s3 =	rddreg [dreg:$0x2];
	[bflag:$0x3] =	sbarrier.arrive $0xFFFF;
	s2 =	simm.s32 @!p0 $0x1C01  }
0x42: {  	[timem:s3], [sflag:s2] =	dma.local @!p0 [hbm:s0], s1  }
0x43: {  	s0 =	simm.s32 @!p0 $0x1  }
0x44: {  	_ =	swait.ge @!p0 [sflag:s0], s1  }
0x45: {  	s1 =	ssub.s32 @!p0 $0x0, s1;
	[sflag:s0] =	ssyncset.done @!p0 $0x0  }
0x46: {  	[sflag:s0] =	ssyncadd.s32 @!p0 s1  }
0x47: {  	[bflag:$0x3] =	sbarrier.arrive $0xFFFF  }
0x48: {  	_ =	shalt  }

// kernel: kernel.20.cloned.1.call-start
scs
__scs_entry_jumppad:
0x0: {  	(pc) =	sbr.rel $0x88, $3  }
0x1: {  	(tag) =	ssettag $0x0;
	lr =	simm.s32 $0x1  }
0x2: {  	[smem:$0x3F8C] =	sst lr;
	_ =	strace $0xD0000000  }
0x3: {  	_ = 	snop  }
0x4: {  	_ = 	snop  }
0x5: {  	_ = 	snop  }
0x6: {  	_ = 	snop  }
0x7: {  	_ = 	snop  }
__scs_overlays_trampoline_lowered:
0x8: {  	[smem:$0x3F9B] =	sst s0  }
0x9: {  	[smem:$0x3F9C] =	sst s1  }
0xa: {  	[smem:$0x3F9D] =	sst s2  }
0xb: {  	[smem:$0x3F9E] =	sst s3  }
0xc: {  	[smem:$0x3F9F] =	sst s4  }
0xd: {  	[smem:$0x3FA0] =	sst s5  }
0xe: {  	[smem:$0x3FA1] =	sst s6  }
0xf: {  	[smem:$0x3FA2] =	sst s7  }
0x10: {  	[smem:$0x3FA3] =	sst s8  }
0x11: {  	[smem:$0x3FA4] =	sst s9;
	s0 =	simm.s32 @!p0 $0x0  }
0x12: {  	s1 =	sld [smem:$0x3F8A];
	s0 =	simm.s32 @p0 $0x1  }
0x13: {  	[smem:$0x3FA5] =	sst s0;
	s0 =	simm.s32 @!p1 $0x0  }
0x14: {  	s2 =	sld [smem:$0x3F89];
	s0 =	simm.s32 @p1 $0x1  }
0x15: {  	[smem:$0x3FA6] =	sst s0;
	s0 =	simm.s32 @!p2 $0x0  }
0x16: {  	s3 =	sld [smem:$0x3FDB];
	s0 =	simm.s32 @p2 $0x1  }
0x17: {  	s4 =	simm.s32 $0x1BF5;
	[smem:$0x3FA8] =	sst s0  }
0x18: {  	s0 =	sld [smem:$0x3F8B];
	_ =	swait.ge [sflag:s4], $0x0  }
0x19: {  	s7 =	sld [smem:$0x3F8C]  }
0x1a: {  	s8 =	sadd.s32 $0xFFFFE003, lr  }
0x1b: {  	s9 =	sadd.s32 $0xFFFFFEF7, lr;
	s5 =	simm.s32 $0xFFFFFFFF;
	p2 =	slt.u32 s8, $0xFFFFF086  }
0x1c: {  	p1 =	slt.u32 s9, $0xF7A;
	s5 =	simm.s32 @!p2 $0x0  }
0x1d: {  	s5 =	simm.s32 @p1 $0x1;
	p0 =	seq.s32 s7, s2  }
0x1e: {  	s7 =	smul.u32 @!p0 $0xF7A, s2;
	p2 =	seq.s32 @!p0 s5, $0x0  }
0x1f: {  	s9 =	smul.u32 $0xF7A, s1;
	s8 =	simm.s32 @!p0 $0x1BF5;
	p2 =	por !p2, p0  }
0x20: {  	[sflag:s8] =	ssyncset.s32 @!p0 $0xFFFFF086;
	s6 =	sadd.s32 @!p0 s3, s7;
	s7 =	simm.s32 @!p0 $0x108  }
0x21: {  	s3 =	sadd.s32 s3, s9;
	s6 =	sadd.s32 @!p0 $0x88, s6;
	s7 =	simm.s32 @p2 $0x1082  }
0x22: {  	[simem:s7], [sflag:s8] =	dma.local @!p0 [hbm:s6], $0xF7A  }
0x23: {  	s9 =	sor.u32 $0xD0000000, s2;
	s6 =	simm.s32 $0x108;
	_ =	swait.ge @!p0 [sflag:s8], $0x0  }
0x24: {  	s3 =	sadd.s32 $0x88, s3;
	s6 =	simm.s32 @!p1 $0x1082;
	[sflag:s4] =	ssyncset.s32 $0xFFFFF086  }
0x25: {  	[simem:s6], [sflag:s4] =	dma.local [hbm:s3], $0xF7A  }
0x26: {  	[smem:$0x3F8C] =	sst s1;
	(tag) =	ssettag s2;
	_ =	strace s9  }
0x27: {  	s1 =	sld [smem:$0x3F9C]  }
0x28: {  	s2 =	sld [smem:$0x3F9D]  }
0x29: {  	s4 =	sld [smem:$0x3F9F]  }
0x2a: {  	p0 =	seq.s32 s5, $0x0;
	s5 =	sld [smem:$0x3FA0]  }
0x2b: {  	s6 =	sld [smem:$0x3FA1]  }
0x2c: {  	s7 =	sld [smem:$0x3FA2]  }
0x2d: {  	s3 =	simm.s32 $0x108;
	s8 =	sld [smem:$0x3FA3]  }
0x2e: {  	s3 =	simm.s32 @!p0 $0x1082;
	s9 =	sld [smem:$0x3FA4]  }
0x2f: {  	lr =	sadd.s32 s0, s3;
	s0 =	sld [smem:$0x3F9B]  }
0x30: {  	s3 =	sld [smem:$0x3F9E]  }
0x31: {  	[smem:$0x3FA7] =	sst s10  }
0x32: {  	s10 =	sld [smem:$0x3FA5];
	_ =	sdelay $0x3  }
0x33: {  	p0 =	seq.s32 s10, $0x1;
	s10 =	sld [smem:$0x3FA7];
	_ =	sdelay $0x3  }
0x34: {  	[smem:$0x3FA7] =	sst s10  }
0x35: {  	s10 =	sld [smem:$0x3FA6];
	_ =	sdelay $0x3  }
0x36: {  	p1 =	seq.s32 s10, $0x1;
	s10 =	sld [smem:$0x3FA7];
	_ =	sdelay $0x3  }
0x37: {  	[smem:$0x3FA7] =	sst s10  }
0x38: {  	s10 =	sld [smem:$0x3FA8]  }
0x39: {  	_ = 	snop;
	(pc) =	sbr.ind lr, $3  }
0x3a: {  	_ = 	snop  }
0x3b: {  	_ = 	snop  }
0x3c: {  	p2 =	seq.s32 s10, $0x1;
	s10 =	sld [smem:$0x3FA7]  }
0x3d: {  	_ =	shalt  }
0x3e: {  	_ =	shalt  }
0x3f: {  	_ =	shalt  }
0x40: {  	_ =	shalt  }
0x41: {  	_ =	shalt  }
0x42: {  	_ =	shalt  }
0x43: {  	_ =	shalt  }
0x44: {  	_ =	shalt  }
0x45: {  	_ =	shalt  }
0x46: {  	_ =	shalt  }
0x47: {  	_ =	shalt  }
0x48: {  	_ =	shalt  }
0x49: {  	_ =	shalt  }
0x4a: {  	_ =	shalt  }
0x4b: {  	_ =	shalt  }
0x4c: {  	_ =	shalt  }
0x4d: {  	_ =	shalt  }
0x4e: {  	_ =	shalt  }
0x4f: {  	_ =	shalt  }
0x50: {  	_ =	shalt  }
0x51: {  	_ =	shalt  }
0x52: {  	_ =	shalt  }
0x53: {  	_ =	shalt  }
0x54: {  	_ =	shalt  }
0x55: {  	_ =	shalt  }
0x56: {  	_ =	shalt  }
0x57: {  	_ =	shalt  }
0x58: {  	_ =	shalt  }
0x59: {  	_ =	shalt  }
0x5a: {  	_ =	shalt  }
0x5b: {  	_ =	shalt  }
0x5c: {  	_ =	shalt  }
0x5d: {  	_ =	shalt  }
0x5e: {  	_ =	shalt  }
0x5f: {  	_ =	shalt  }
0x60: {  	_ =	shalt  }
0x61: {  	_ =	shalt  }
0x62: {  	_ =	shalt  }
0x63: {  	_ =	shalt  }
0x64: {  	_ =	shalt  }
0x65: {  	_ =	shalt  }
0x66: {  	_ =	shalt  }
0x67: {  	_ =	shalt  }
0x68: {  	_ =	shalt  }
0x69: {  	_ =	shalt  }
0x6a: {  	_ =	shalt  }
0x6b: {  	_ =	shalt  }
0x6c: {  	_ =	shalt  }
0x6d: {  	_ =	shalt  }
0x6e: {  	_ =	shalt  }
0x6f: {  	_ =	shalt  }
0x70: {  	_ =	shalt  }
0x71: {  	_ =	shalt  }
0x72: {  	_ =	shalt  }
0x73: {  	_ =	shalt  }
0x74: {  	_ =	shalt  }
0x75: {  	_ =	shalt  }
0x76: {  	_ =	shalt  }
0x77: {  	_ =	shalt  }
0x78: {  	_ =	shalt  }
0x79: {  	_ =	shalt  }
0x7a: {  	_ =	shalt  }
0x7b: {  	_ =	shalt  }
0x7c: {  	_ =	shalt  }
0x7d: {  	_ =	shalt  }
0x7e: {  	_ =	shalt  }
0x7f: {  	_ =	shalt  }
0x80: {  	_ =	shalt  }
0x81: {  	_ =	shalt  }
0x82: {  	_ =	shalt  }
0x83: {  	_ =	shalt  }
0x84: {  	_ =	shalt  }
0x85: {  	_ =	shalt  }
0x86: {  	_ =	shalt  }
0x87: {  	_ =	shalt  }
.Lfunc_end0:
.L_simem_size_0:
called_computation.2_lowered:
.L_overlay_start_0:
0x88: {  	s2 =	sld [smem:$0x3FD9]  }
0x89: {  	s3 =	sld [smem:$0x3FFE];
	_ =	sdelay $0x1  }
0x8a: {  	s1 =	srdreg.scid  }
0x8b: {  	s0 =	sand.u32 $0x1, s1  }
0x8c: {  	s16 =	sshll.u32 s0, $0xA;
	s2 =	sadd.s32 s3, s2  }
0x8d: {  	s2 =	sadd.s32 s2, s16  }
0x8e: {  	[smem:$0x3FB3] =	sst s2  }
0x8f: {  	_ = 	snop  }
0x90: {  	(tm) =	ssettm $0x1  }
0x91: {  	s17 =	sld [smem:$0x3FFB];
	_ =	sdelay $0x3  }
0x92: {  	_ =	strace s17  }
0x93: {  	s2 =	sld [smem:$0x3FFC];
	_ =	sdelay $0x3  }
0x94: {  	_ =	strace s2  }
0x95: {  	s2 =	sld [smem:$0x3FFD];
	_ =	sdelay $0x3  }
0x96: {  	_ =	strace s2  }
0x97: {  	_ =	strace $0x8FFFFFFF  }
0x98: {  	s18 =	sld [smem:$0x3FDB];
	_ =	sdelay $0x1  }
0x99: {  	s19 =	simm.s32 $_scs_section_size  }
0x9a: {  	s4 =	simm.s32 $_size__tile_overlayer_lowered;
	s5 =	simm.s32 $_tile_overlayer_lowered  }
0x9b: {  	s22 =	simm.s32 $0x1BFF;
	s21 =	sshll.u32 s5, $0x1;
	s2 =	sadd.s32 s19, s18  }
0x9c: {  	s6 =	simm.s32 $0x0;
	s20 =	sshll.u32 s4, $0x1;
	s4 =	sadd.s32 s21, s2  }
0x9d: {  	[timem:s6], [sflag:s22] =	dma.local [hbm:s4], s20  }
0x9e: {  	_ =	swait.ge [sflag:s22], s20  }
0x9f: {  	s3 =	ssub.s32 $0x0, s20;
	[sflag:s22] =	ssyncset.done $0x0  }
0xa0: {  	[sflag:s22] =	ssyncadd.s32 s3;
	_ =	sdelay $0x1  }
0xa1: {  	s23 =	simm.s32 $0x1B8B  }
0xa2: {  	_ =	swait.ge [sflag:s23], $0x1  }
0xa3: {  	[sflag:s23] =	ssyncset.done $0x0  }
0xa4: {  	s25 =	simm.s32 $0x1B8E;
	s24 =	sld [smem:$0x3FFE];
	[sflag:s23] =	ssyncadd.s32 $0xFFFFFFFF  }
0xa5: {  	s26 =	simm.s32 $execute0_lowered;
	[smem:$0x3FD2] =	sst s25  }
0xa6: {  	s4 =	sshll.u32 s26, $0x1;
	_ =	strace $0x8000004C;
	[dreg:$0x1] =	wrdreg $0xFFFFFFFF  }
0xa7: {  	s28 =	simm.s32 $_size_execute0_lowered;
	s2 =	sadd.s32 s2, s4;
	[dreg:$0x0] =	wrdreg $0x0  }
0xa8: {  	s4 =	sshll.u32 s28, $0x1;
	[dreg:$0x2] =	wrdreg s2  }
0xa9: {  	[dreg:$0x3] =	wrdreg s4  }
0xaa: {  	[dreg:$0x4] =	wrdreg $0xC0  }
0xab: {  	_ =	task [dreg:s6], $0x5FFFF  }
0xac: {  	[dreg:$0x1] =	wrdreg $0xFFFFFFFF  }
0xad: {  	[dreg:$0x0] =	wrdreg $0x60  }
0xae: {  	[dreg:$0x2] =	wrdreg s24  }
0xaf: {  	[dreg:$0x3] =	wrdreg $0x90000  }
0xb0: {  	[dreg:$0x4] =	wrdreg $0x9  }
0xb1: {  	_ =	task.clear_ibuf [dreg:s6], $0x5FFFF;
	_ =	strace $0x9000004C  }
0xb2: {  	s29 =	simm.s32 $0x9;
	_ =	strace $0x8000004E  }
0xb3: {  	_ =	swait.ge [sflag:s29], $0x1  }
0xb4: {  	[sflag:s29] =	ssyncadd.s32 $0xFFFFFFFF  }
0xb5: {  	_ =	strace $0x9000004E  }
0xb6: {  	_ =	sfence  }
0xb7: {  	s30 =	sld [smem:$0x0];
	_ =	sdelay $0x2  }
0xb8: {  	s31 =	sshll.u32 s1, $0xD;
	s1 =	sshrl.u32 s1, $0x2  }
0xb9: {  	s3 =	sand.u32 $0x4000, s31;
	s1 =	sadd.s32 s1, s30  }
0xba: {  	s0 =	sor.u32 s3, s0;
	s1 =	sshll.u32 s1, $0x11  }
0xbb: {  	s0 =	sor.u32 s1, s0  }
0xbc: {  	s0 =	sadd.s32 $0x8F2B, s0  }
0xbd: {  	[sflag:s0] =	ssyncadd.remote.s32 $0x1  }
0xbe: {  	_ =	sfence.sel $0xFFFF  }
0xbf: {  	[dreg:$0x0] =	wrdreg $0xFFFFFFFF;
	(pc) =	sbr.abs _section_cstart, $3  }
0xc0: {  	[dreg:$0x1] =	wrdreg $0xFFFFFFFF  }
0xc1: {  	_ =	task.clear_ibuf [dreg:s6], $0x2FFFF;
	_ =	strace $0x9FFFFFFF  }
0xc2: {  	(tm) =	ssettm $0x7FFFFFFF  }
0xc3: {  	_ =	shalt  }
tec
execute0_lowered:
.L_overlay_start_1:
0x0: {  	(tag) =	ssettag $0x1  }
0x1: {  	s0 =	srdreg.scid;
	s6 =	rddreg [dreg:$0x0]  }
0x2: {  	s2 =	rddreg [dreg:$0x1];
	s1 =	stileid.u32;
	s3 =	simm.s32 $0x0  }
0x3: {  	s13 =	simm.s32 $0x50;
	s14 =	simm.s32 $0x6800;
	s15 =	simm.s32 $0x0  }
0x4: {  	s5 =	sand.u32 $0x1, s0;
	s0 =	rddreg [dreg:$0x2];
	s9 =	smul.u32 $0x2800, s1  }
0x5: {  	[smem:$0x7FF] =	sst s3;
	s12 =	smul.u32 $0x50000, s1;
	s31 =	sshll.u32 s1, $0x6  }
0x6: {  	s4 =	sshll.u32 s5, $0x4;
	_ =	strace $0x8000004D;
	s10 =	smul.u32 $0x28000, s5  }
0x7: {  	s11 =	ssub.s32 $0x2, s5;
	s5 =	sadd.s32 $0x28200, s6;
	s7 =	sor.u32 s1, s4  }
0x8: {  	s4 =	sadd.s32 $0x2AA00, s6;
	s29 =	sshrl.u32 s11, $0x1;
	s30 =	sshrl.u32 s12, $0x2  }
0x9: {  	s8 =	smul.u32 $0x500, s7;
	s7 =	sshll.u32 s7, $0xB;
	s9 =	sadd.s32 s9, s10  }
0xa: {  	s10 =	ssub.s32 s11, s29;
	s12 =	sadd.s32 s30, s2;
	s11 =	sor.u32 $0x1C01, s31  }
0xb: {  	s7 =	sadd.s32 s7, s6;
	s9 =	sadd.s32 s9, s6;
	s8 =	sadd.s32 s8, s6  }
0xc: {  	s12 =	sshrl.u32 s12, $0x3;
	s7 =	sadd.s32 $0xE200, s7;
	s6 =	sadd.s32 $0xA2A00, s8  }
0xd: {  	s8 =	sadd.s32 $0x52A00, s9;
	s9 =	smax.u32 s10, $0x1;
	s10 =	simm.s32 $0x1  }
.LBB2_1:
0xe: {  	[tilespmem:s3], [sflag:$0x1] =	stream.linear.gather [hbm4b:s6+s3], $0x2800, $0x38;
	[tilespmem:$0x1D000] =	vst v63  }
0xf: {  	_ =	swait.ge [sflag:s10], $0x2800  }
0x10: {  	[sflag:s10] =	ssyncset.done $0x0  }
0x11: {  	s16 =	simm.s32 $0x2800;
	[sflag:s10] =	ssyncadd.s32 $0xFFFFD800  }
0x12: {  	[tilespmem:s16], [sflag:$0x1] =	stream.linear.gather [hbm4b:s7+s3], $0x4000, $0x38;
	[tilespmem:$0x1D000] =	vst v63  }
0x13: {  	_ =	swait.ge [sflag:s10], $0x4000  }
0x14: {  	[sflag:s10] =	ssyncset.done $0x0  }
0x15: {  	[sflag:s10] =	ssyncadd.s32 $0xFFFFC000  }
0x16: {  	[spmem:s12], [sflag:s11] =	dma.local [hbm:s5], $0x2800  }
0x17: {  	_ =	swait.ge [sflag:s10], $0x2800  }
0x18: {  	[sflag:s10] =	ssyncset.done $0x0  }
0x19: {  	[sflag:s10] =	ssyncadd.s32 $0xFFFFD800  }
0x1a: {  	s17 =	simm.s32 $0x0;
	[bflag:$0x0] =	sbarrier.arrive $0xFFFF  }
0x1b: {  	[tilespmem:s14], [sflag:$0x1] =	stream.indirect.gather [hbm4b:s4+s13], $0x80, s17, s13, $0xb8;
	[tilespmem:$0x1D000] =	vst v63  }
0x1c: {  	_ =	swait.ge [sflag:s10], $0x2800  }
0x1d: {  	[sflag:s10] =	ssyncset.done $0x0  }
0x1e: {  	[sflag:s10] =	ssyncadd.s32 $0xFFFFD800  }
0x1f: {  	[spmem:s2] =	stream.indirect.scatter.add.f32 [tilespmem:s14], [sflag:$0x1], $0x80, s16, s13, $0xb8;
	[tilespmem:$0x1D000] =	vst v63  }
0x20: {  	s18 =	simm.s32 $0x280;
	_ =	swait.ge [sflag:s10], $0x2800  }
0x21: {  	s17 =	simm.s32 $0x140;
	s16 =	simm.s32 $0x2880;
	[sflag:s10] =	ssyncset.done $0x0  }
.LBB2_2:
0x22: {  	s19 =	sshra.s32 s17, $0x2  }
0x23: {  	[sflag:s10] =	ssyncadd.s32 $0xFFFFD800;
	s17 =	smov.u32 s18;
	s20 =	sadd.s32 $0x140, s18  }
0x24: {  	[tilespmem:s14], [sflag:$0x1] =	stream.indirect.gather [hbm4b:s4+s13], $0x80, s19, s13, $0xb8;
	[tilespmem:$0x1D000] =	vst v63  }
0x25: {  	p0 =	sne.s32 s18, $0x9EC0;
	_ =	swait.ge [sflag:s10], $0x2800  }
.Ltmp0:
0x26: {  	[sflag:s10] =	ssyncset.done $0x0;
	(pc) =	sbr.rel @p0 .LBB2_2-.Ltmp0, $4  }
0x27: {  	[sflag:s10] =	ssyncadd.s32 $0xFFFFD800  }
0x28: {  	[spmem:s2] =	stream.indirect.scatter.add.f32 [tilespmem:s14], [sflag:$0x1], $0x80, s16, s13, $0xb8;
	[tilespmem:$0x1D000] =	vst v63  }
0x29: {  	_ =	swait.ge [sflag:s10], $0x2800  }
0x2a: {  	s18 =	smov.u32 s20;
	s16 =	sadd.s32 $0x80, s16;
	[sflag:s10] =	ssyncset.done $0x0  }
0x2b: {  	s17 =	sshra.s32 s17, $0x2;
	[sflag:s10] =	ssyncadd.s32 $0xFFFFD800  }
0x2c: {  	[tilespmem:s14], [sflag:$0x1] =	stream.indirect.gather [hbm4b:s4+s13], $0x80, s17, s13, $0xb8;
	[tilespmem:$0x1D000] =	vst v63  }
0x2d: {  	_ =	swait.ge [sflag:s10], $0x2800  }
0x2e: {  	[sflag:s10] =	ssyncset.done $0x0  }
0x2f: {  	[sflag:s10] =	ssyncadd.s32 $0xFFFFD800  }
0x30: {  	[spmem:s2] =	stream.indirect.scatter.add.f32 [tilespmem:s14], [sflag:$0x1], $0x80, s16, s13, $0xb8;
	[tilespmem:$0x1D000] =	vst v63  }
0x31: {  	_ =	swait.ge [sflag:s10], $0x2800  }
0x32: {  	s15 =	sadd.s32 $0x1, s15;
	[sflag:s10] =	ssyncset.done $0x0  }
0x33: {  	p0 =	sne.s32 s15, s9;
	[sflag:s10] =	ssyncadd.s32 $0xFFFFD800  }
.Ltmp1:
0x34: {  	[bflag:$0x0] =	sbarrier.arrive $0xFFFF;
	(pc) =	sbr.rel @p0 .LBB2_1-.Ltmp1, $4  }
0x35: {  	[hbm:s8], [sflag:s11] =	dma.local [spmem:s12], $0x2800  }
0x36: {  	_ =	swait.ge [sflag:s10], $0x2800  }
0x37: {  	[sflag:s10] =	ssyncset.done $0x0  }
0x38: {  	[sflag:s10] =	ssyncadd.s32 $0xFFFFD800  }
0x39: {  	_ =	sfence.sel $0x180000  }
0x3a: {  	[bflag:$0x0] =	sbarrier.arrive $0xFFFF  }
0x3b: {  	p0 =	sne.s32 s1, $0x0;
	_ =	strace $0x9000004D  }
0x3c: {  	s0 =	sadd.s32 @!p0 $0x100000, s0;
	[bflag:$0x2] =	sbarrier.arrive $0xFFFF  }
0x3d: {  	[sflag:s0] =	ssyncadd.tile.s32 @!p0 $0x1;
	_ =	shalt  }
.Lfunc_end2:
_tile_overlayer_lowered:
.L_overlay_start_2:
0x3e: {  	(tag) =	ssettag $0x2  }
0x3f: {  	s0 =	rddreg [dreg:$0x0];
	s2 =	stileid.u32  }
0x40: {  	s1 =	rddreg [dreg:$0x1];
	p0 =	sne.s32 s2, $0x0  }
0x41: {  	s3 =	rddreg [dreg:$0x2];
	[bflag:$0x3] =	sbarrier.arrive $0xFFFF;
	s2 =	simm.s32 @!p0 $0x1C01  }
0x42: {  	[timem:s3], [sflag:s2] =	dma.local @!p0 [hbm:s0], s1  }
0x43: {  	s0 =	simm.s32 @!p0 $0x1  }
0x44: {  	_ =	swait.ge @!p0 [sflag:s0], s1  }
0x45: {  	s1 =	ssub.s32 @!p0 $0x0, s1;
	[sflag:s0] =	ssyncset.done @!p0 $0x0  }
0x46: {  	[sflag:s0] =	ssyncadd.s32 @!p0 s1  }
0x47: {  	[bflag:$0x3] =	sbarrier.arrive $0xFFFF  }
0x48: {  	_ =	shalt  }

// kernel: kernel.23.cloned.1.call-start
scs
__scs_entry_jumppad:
0x0: {  	(pc) =	sbr.rel $0x88, $3  }
0x1: {  	(tag) =	ssettag $0x0;
	lr =	simm.s32 $0x1  }
0x2: {  	[smem:$0x3F8C] =	sst lr;
	_ =	strace $0xD0000000  }
0x3: {  	_ = 	snop  }
0x4: {  	_ = 	snop  }
0x5: {  	_ = 	snop  }
0x6: {  	_ = 	snop  }
0x7: {  	_ = 	snop  }
__scs_overlays_trampoline_lowered:
0x8: {  	[smem:$0x3F9B] =	sst s0  }
0x9: {  	[smem:$0x3F9C] =	sst s1  }
0xa: {  	[smem:$0x3F9D] =	sst s2  }
0xb: {  	[smem:$0x3F9E] =	sst s3  }
0xc: {  	[smem:$0x3F9F] =	sst s4  }
0xd: {  	[smem:$0x3FA0] =	sst s5  }
0xe: {  	[smem:$0x3FA1] =	sst s6  }
0xf: {  	[smem:$0x3FA2] =	sst s7  }
0x10: {  	[smem:$0x3FA3] =	sst s8  }
0x11: {  	[smem:$0x3FA4] =	sst s9;
	s0 =	simm.s32 @!p0 $0x0  }
0x12: {  	s1 =	sld [smem:$0x3F8A];
	s0 =	simm.s32 @p0 $0x1  }
0x13: {  	[smem:$0x3FA5] =	sst s0;
	s0 =	simm.s32 @!p1 $0x0  }
0x14: {  	s2 =	sld [smem:$0x3F89];
	s0 =	simm.s32 @p1 $0x1  }
0x15: {  	[smem:$0x3FA6] =	sst s0;
	s0 =	simm.s32 @!p2 $0x0  }
0x16: {  	s3 =	sld [smem:$0x3FDB];
	s0 =	simm.s32 @p2 $0x1  }
0x17: {  	s4 =	simm.s32 $0x1BF5;
	[smem:$0x3FA8] =	sst s0  }
0x18: {  	s0 =	sld [smem:$0x3F8B];
	_ =	swait.ge [sflag:s4], $0x0  }
0x19: {  	s7 =	sld [smem:$0x3F8C]  }
0x1a: {  	s8 =	sadd.s32 $0xFFFFE003, lr  }
0x1b: {  	s9 =	sadd.s32 $0xFFFFFEF7, lr;
	s5 =	simm.s32 $0xFFFFFFFF;
	p2 =	slt.u32 s8, $0xFFFFF086  }
0x1c: {  	p1 =	slt.u32 s9, $0xF7A;
	s5 =	simm.s32 @!p2 $0x0  }
0x1d: {  	s5 =	simm.s32 @p1 $0x1;
	p0 =	seq.s32 s7, s2  }
0x1e: {  	s7 =	smul.u32 @!p0 $0xF7A, s2;
	p2 =	seq.s32 @!p0 s5, $0x0  }
0x1f: {  	s9 =	smul.u32 $0xF7A, s1;
	s8 =	simm.s32 @!p0 $0x1BF5;
	p2 =	por !p2, p0  }
0x20: {  	[sflag:s8] =	ssyncset.s32 @!p0 $0xFFFFF086;
	s6 =	sadd.s32 @!p0 s3, s7;
	s7 =	simm.s32 @!p0 $0x108  }
0x21: {  	s3 =	sadd.s32 s3, s9;
	s6 =	sadd.s32 @!p0 $0x88, s6;
	s7 =	simm.s32 @p2 $0x1082  }
0x22: {  	[simem:s7], [sflag:s8] =	dma.local @!p0 [hbm:s6], $0xF7A  }
0x23: {  	s9 =	sor.u32 $0xD0000000, s2;
	s6 =	simm.s32 $0x108;
	_ =	swait.ge @!p0 [sflag:s8], $0x0  }
0x24: {  	s3 =	sadd.s32 $0x88, s3;
	s6 =	simm.s32 @!p1 $0x1082;
	[sflag:s4] =	ssyncset.s32 $0xFFFFF086  }
0x25: {  	[simem:s6], [sflag:s4] =	dma.local [hbm:s3], $0xF7A  }
0x26: {  	[smem:$0x3F8C] =	sst s1;
	(tag) =	ssettag s2;
	_ =	strace s9  }
0x27: {  	s1 =	sld [smem:$0x3F9C]  }
0x28: {  	s2 =	sld [smem:$0x3F9D]  }
0x29: {  	s4 =	sld [smem:$0x3F9F]  }
0x2a: {  	p0 =	seq.s32 s5, $0x0;
	s5 =	sld [smem:$0x3FA0]  }
0x2b: {  	s6 =	sld [smem:$0x3FA1]  }
0x2c: {  	s7 =	sld [smem:$0x3FA2]  }
0x2d: {  	s3 =	simm.s32 $0x108;
	s8 =	sld [smem:$0x3FA3]  }
0x2e: {  	s3 =	simm.s32 @!p0 $0x1082;
	s9 =	sld [smem:$0x3FA4]  }
0x2f: {  	lr =	sadd.s32 s0, s3;
	s0 =	sld [smem:$0x3F9B]  }
0x30: {  	s3 =	sld [smem:$0x3F9E]  }
0x31: {  	[smem:$0x3FA7] =	sst s10  }
0x32: {  	s10 =	sld [smem:$0x3FA5];
	_ =	sdelay $0x3  }
0x33: {  	p0 =	seq.s32 s10, $0x1;
	s10 =	sld [smem:$0x3FA7];
	_ =	sdelay $0x3  }
0x34: {  	[smem:$0x3FA7] =	sst s10  }
0x35: {  	s10 =	sld [smem:$0x3FA6];
	_ =	sdelay $0x3  }
0x36: {  	p1 =	seq.s32 s10, $0x1;
	s10 =	sld [smem:$0x3FA7];
	_ =	sdelay $0x3  }
0x37: {  	[smem:$0x3FA7] =	sst s10  }
0x38: {  	s10 =	sld [smem:$0x3FA8]  }
0x39: {  	_ = 	snop;
	(pc) =	sbr.ind lr, $3  }
0x3a: {  	_ = 	snop  }
0x3b: {  	_ = 	snop  }
0x3c: {  	p2 =	seq.s32 s10, $0x1;
	s10 =	sld [smem:$0x3FA7]  }
0x3d: {  	_ =	shalt  }
0x3e: {  	_ =	shalt  }
0x3f: {  	_ =	shalt  }
0x40: {  	_ =	shalt  }
0x41: {  	_ =	shalt  }
0x42: {  	_ =	shalt  }
0x43: {  	_ =	shalt  }
0x44: {  	_ =	shalt  }
0x45: {  	_ =	shalt  }
0x46: {  	_ =	shalt  }
0x47: {  	_ =	shalt  }
0x48: {  	_ =	shalt  }
0x49: {  	_ =	shalt  }
0x4a: {  	_ =	shalt  }
0x4b: {  	_ =	shalt  }
0x4c: {  	_ =	shalt  }
0x4d: {  	_ =	shalt  }
0x4e: {  	_ =	shalt  }
0x4f: {  	_ =	shalt  }
0x50: {  	_ =	shalt  }
0x51: {  	_ =	shalt  }
0x52: {  	_ =	shalt  }
0x53: {  	_ =	shalt  }
0x54: {  	_ =	shalt  }
0x55: {  	_ =	shalt  }
0x56: {  	_ =	shalt  }
0x57: {  	_ =	shalt  }
0x58: {  	_ =	shalt  }
0x59: {  	_ =	shalt  }
0x5a: {  	_ =	shalt  }
0x5b: {  	_ =	shalt  }
0x5c: {  	_ =	shalt  }
0x5d: {  	_ =	shalt  }
0x5e: {  	_ =	shalt  }
0x5f: {  	_ =	shalt  }
0x60: {  	_ =	shalt  }
0x61: {  	_ =	shalt  }
0x62: {  	_ =	shalt  }
0x63: {  	_ =	shalt  }
0x64: {  	_ =	shalt  }
0x65: {  	_ =	shalt  }
0x66: {  	_ =	shalt  }
0x67: {  	_ =	shalt  }
0x68: {  	_ =	shalt  }
0x69: {  	_ =	shalt  }
0x6a: {  	_ =	shalt  }
0x6b: {  	_ =	shalt  }
0x6c: {  	_ =	shalt  }
0x6d: {  	_ =	shalt  }
0x6e: {  	_ =	shalt  }
0x6f: {  	_ =	shalt  }
0x70: {  	_ =	shalt  }
0x71: {  	_ =	shalt  }
0x72: {  	_ =	shalt  }
0x73: {  	_ =	shalt  }
0x74: {  	_ =	shalt  }
0x75: {  	_ =	shalt  }
0x76: {  	_ =	shalt  }
0x77: {  	_ =	shalt  }
0x78: {  	_ =	shalt  }
0x79: {  	_ =	shalt  }
0x7a: {  	_ =	shalt  }
0x7b: {  	_ =	shalt  }
0x7c: {  	_ =	shalt  }
0x7d: {  	_ =	shalt  }
0x7e: {  	_ =	shalt  }
0x7f: {  	_ =	shalt  }
0x80: {  	_ =	shalt  }
0x81: {  	_ =	shalt  }
0x82: {  	_ =	shalt  }
0x83: {  	_ =	shalt  }
0x84: {  	_ =	shalt  }
0x85: {  	_ =	shalt  }
0x86: {  	_ =	shalt  }
0x87: {  	_ =	shalt  }
.Lfunc_end0:
.L_simem_size_0:
called_computation.3_lowered:
.L_overlay_start_0:
0x88: {  	s2 =	sld [smem:$0x3FD9]  }
0x89: {  	s3 =	sld [smem:$0x3FFE];
	_ =	sdelay $0x1  }
0x8a: {  	s1 =	srdreg.scid  }
0x8b: {  	s0 =	sand.u32 $0x1, s1  }
0x8c: {  	s16 =	sshll.u32 s0, $0xA;
	s2 =	sadd.s32 s3, s2  }
0x8d: {  	s2 =	sadd.s32 s2, s16  }
0x8e: {  	[smem:$0x3FB3] =	sst s2  }
0x8f: {  	_ = 	snop  }
0x90: {  	(tm) =	ssettm $0x1  }
0x91: {  	s17 =	sld [smem:$0x3FFB];
	_ =	sdelay $0x3  }
0x92: {  	_ =	strace s17  }
0x93: {  	s2 =	sld [smem:$0x3FFC];
	_ =	sdelay $0x3  }
0x94: {  	_ =	strace s2  }
0x95: {  	s2 =	sld [smem:$0x3FFD];
	_ =	sdelay $0x3  }
0x96: {  	_ =	strace s2  }
0x97: {  	_ =	strace $0x8FFFFFFF  }
0x98: {  	s18 =	sld [smem:$0x3FDB];
	_ =	sdelay $0x1  }
0x99: {  	s19 =	simm.s32 $_scs_section_size  }
0x9a: {  	s4 =	simm.s32 $_size__tile_overlayer_lowered;
	s5 =	simm.s32 $_tile_overlayer_lowered  }
0x9b: {  	s22 =	simm.s32 $0x1BFF;
	s21 =	sshll.u32 s5, $0x1;
	s2 =	sadd.s32 s19, s18  }
0x9c: {  	s6 =	simm.s32 $0x0;
	s20 =	sshll.u32 s4, $0x1;
	s4 =	sadd.s32 s21, s2  }
0x9d: {  	[timem:s6], [sflag:s22] =	dma.local [hbm:s4], s20  }
0x9e: {  	_ =	swait.ge [sflag:s22], s20  }
0x9f: {  	s3 =	ssub.s32 $0x0, s20;
	[sflag:s22] =	ssyncset.done $0x0  }
0xa0: {  	[sflag:s22] =	ssyncadd.s32 s3;
	_ =	sdelay $0x1  }
0xa1: {  	s23 =	simm.s32 $0x1B8B  }
0xa2: {  	_ =	swait.ge [sflag:s23], $0x1  }
0xa3: {  	[sflag:s23] =	ssyncset.done $0x0  }
0xa4: {  	s25 =	simm.s32 $0x1B8E;
	s24 =	sld [smem:$0x3FFE];
	[sflag:s23] =	ssyncadd.s32 $0xFFFFFFFF  }
0xa5: {  	s26 =	simm.s32 $execute0_lowered;
	[smem:$0x3FD2] =	sst s25  }
0xa6: {  	s4 =	sshll.u32 s26, $0x1;
	_ =	strace $0x8000004F;
	[dreg:$0x1] =	wrdreg $0xFFFFFFFF  }
0xa7: {  	s28 =	simm.s32 $_size_execute0_lowered;
	s2 =	sadd.s32 s2, s4;
	[dreg:$0x0] =	wrdreg $0x0  }
0xa8: {  	s4 =	sshll.u32 s28, $0x1;
	[dreg:$0x2] =	wrdreg s2  }
0xa9: {  	[dreg:$0x3] =	wrdreg s4  }
0xaa: {  	[dreg:$0x4] =	wrdreg $0xC0  }
0xab: {  	_ =	task [dreg:s6], $0x5FFFF  }
0xac: {  	[dreg:$0x1] =	wrdreg $0xFFFFFFFF  }
0xad: {  	[dreg:$0x0] =	wrdreg $0x60  }
0xae: {  	[dreg:$0x2] =	wrdreg s24  }
0xaf: {  	[dreg:$0x3] =	wrdreg $0x90000  }
0xb0: {  	[dreg:$0x4] =	wrdreg $0x9  }
0xb1: {  	_ =	task.clear_ibuf [dreg:s6], $0x5FFFF;
	_ =	strace $0x9000004F  }
0xb2: {  	s29 =	simm.s32 $0x9;
	_ =	strace $0x80000051  }
0xb3: {  	_ =	swait.ge [sflag:s29], $0x1  }
0xb4: {  	[sflag:s29] =	ssyncadd.s32 $0xFFFFFFFF  }
0xb5: {  	_ =	strace $0x90000051  }
0xb6: {  	_ =	sfence  }
0xb7: {  	s30 =	sld [smem:$0x0];
	_ =	sdelay $0x2  }
0xb8: {  	s31 =	sshll.u32 s1, $0xD;
	s1 =	sshrl.u32 s1, $0x2  }
0xb9: {  	s3 =	sand.u32 $0x4000, s31;
	s1 =	sadd.s32 s1, s30  }
0xba: {  	s0 =	sor.u32 s3, s0;
	s1 =	sshll.u32 s1, $0x11  }
0xbb: {  	s0 =	sor.u32 s1, s0  }
0xbc: {  	s0 =	sadd.s32 $0x8F2B, s0  }
0xbd: {  	[sflag:s0] =	ssyncadd.remote.s32 $0x1  }
0xbe: {  	_ =	sfence.sel $0xFFFF  }
0xbf: {  	[dreg:$0x0] =	wrdreg $0xFFFFFFFF;
	(pc) =	sbr.abs _section_cstart, $3  }
0xc0: {  	[dreg:$0x1] =	wrdreg $0xFFFFFFFF  }
0xc1: {  	_ =	task.clear_ibuf [dreg:s6], $0x2FFFF;
	_ =	strace $0x9FFFFFFF  }
0xc2: {  	(tm) =	ssettm $0x7FFFFFFF  }
0xc3: {  	_ =	shalt  }
tec
execute0_lowered:
.L_overlay_start_1:
0x0: {  	(tag) =	ssettag $0x1  }
0x1: {  	s0 =	srdreg.scid;
	s6 =	rddreg [dreg:$0x0]  }
0x2: {  	s2 =	rddreg [dreg:$0x1];
	s1 =	stileid.u32;
	s3 =	simm.s32 $0x0  }
0x3: {  	s13 =	simm.s32 $0x50;
	s14 =	simm.s32 $0x6800;
	s15 =	simm.s32 $0x0  }
0x4: {  	s5 =	sand.u32 $0x1, s0;
	s0 =	rddreg [dreg:$0x2];
	s9 =	smul.u32 $0x2800, s1  }
0x5: {  	[smem:$0x7FF] =	sst s3;
	s12 =	smul.u32 $0x50000, s1;
	s31 =	sshll.u32 s1, $0x6  }
0x6: {  	s4 =	sshll.u32 s5, $0x4;
	_ =	strace $0x80000050;
	s10 =	smul.u32 $0x28000, s5  }
0x7: {  	s11 =	ssub.s32 $0x2, s5;
	s5 =	sadd.s32 $0x28200, s6;
	s7 =	sor.u32 s1, s4  }
0x8: {  	s4 =	sadd.s32 $0x2AA00, s6;
	s29 =	sshrl.u32 s11, $0x1;
	s30 =	sshrl.u32 s12, $0x2  }
0x9: {  	s8 =	smul.u32 $0x500, s7;
	s7 =	sshll.u32 s7, $0xB;
	s9 =	sadd.s32 s9, s10  }
0xa: {  	s10 =	ssub.s32 s11, s29;
	s12 =	sadd.s32 s30, s2;
	s11 =	sor.u32 $0x1C01, s31  }
0xb: {  	s7 =	sadd.s32 s7, s6;
	s9 =	sadd.s32 s9, s6;
	s8 =	sadd.s32 s8, s6  }
0xc: {  	s12 =	sshrl.u32 s12, $0x3;
	s7 =	sadd.s32 $0xE200, s7;
	s6 =	sadd.s32 $0xA2A00, s8  }
0xd: {  	s8 =	sadd.s32 $0x52A00, s9;
	s9 =	smax.u32 s10, $0x1;
	s10 =	simm.s32 $0x1  }
.LBB2_1:
0xe: {  	[tilespmem:s3], [sflag:$0x1] =	stream.linear.gather [hbm4b:s6+s3], $0x2800, $0x38;
	[tilespmem:$0x1D000] =	vst v63  }
0xf: {  	_ =	swait.ge [sflag:s10], $0x2800  }
0x10: {  	[sflag:s10] =	ssyncset.done $0x0  }
0x11: {  	s16 =	simm.s32 $0x2800;
	[sflag:s10] =	ssyncadd.s32 $0xFFFFD800  }
0x12: {  	[tilespmem:s16], [sflag:$0x1] =	stream.linear.gather [hbm4b:s7+s3], $0x4000, $0x38;
	[tilespmem:$0x1D000] =	vst v63  }
0x13: {  	_ =	swait.ge [sflag:s10], $0x4000  }
0x14: {  	[sflag:s10] =	ssyncset.done $0x0  }
0x15: {  	[sflag:s10] =	ssyncadd.s32 $0xFFFFC000  }
0x16: {  	[spmem:s12], [sflag:s11] =	dma.local [hbm:s5], $0x2800  }
0x17: {  	_ =	swait.ge [sflag:s10], $0x2800  }
0x18: {  	[sflag:s10] =	ssyncset.done $0x0  }
0x19: {  	[sflag:s10] =	ssyncadd.s32 $0xFFFFD800  }
0x1a: {  	s17 =	simm.s32 $0x0;
	[bflag:$0x0] =	sbarrier.arrive $0xFFFF  }
0x1b: {  	[tilespmem:s14], [sflag:$0x1] =	stream.indirect.gather [hbm4b:s4+s13], $0x80, s17, s13, $0xb8;
	[tilespmem:$0x1D000] =	vst v63  }
0x1c: {  	_ =	swait.ge [sflag:s10], $0x2800  }
0x1d: {  	[sflag:s10] =	ssyncset.done $0x0  }
0x1e: {  	[sflag:s10] =	ssyncadd.s32 $0xFFFFD800  }
0x1f: {  	[spmem:s2] =	stream.indirect.scatter.add.f32 [tilespmem:s14], [sflag:$0x1], $0x80, s16, s13, $0xb8;
	[tilespmem:$0x1D000] =	vst v63  }
0x20: {  	s18 =	simm.s32 $0x280;
	_ =	swait.ge [sflag:s10], $0x2800  }
0x21: {  	s17 =	simm.s32 $0x140;
	s16 =	simm.s32 $0x2880;
	[sflag:s10] =	ssyncset.done $0x0  }
.LBB2_2:
0x22: {  	s19 =	sshra.s32 s17, $0x2  }
0x23: {  	[sflag:s10] =	ssyncadd.s32 $0xFFFFD800;
	s17 =	smov.u32 s18;
	s20 =	sadd.s32 $0x140, s18  }
0x24: {  	[tilespmem:s14], [sflag:$0x1] =	stream.indirect.gather [hbm4b:s4+s13], $0x80, s19, s13, $0xb8;
	[tilespmem:$0x1D000] =	vst v63  }
0x25: {  	p0 =	sne.s32 s18, $0x9EC0;
	_ =	swait.ge [sflag:s10], $0x2800  }
.Ltmp0:
0x26: {  	[sflag:s10] =	ssyncset.done $0x0;
	(pc) =	sbr.rel @p0 .LBB2_2-.Ltmp0, $4  }
0x27: {  	[sflag:s10] =	ssyncadd.s32 $0xFFFFD800  }
0x28: {  	[spmem:s2] =	stream.indirect.scatter.add.f32 [tilespmem:s14], [sflag:$0x1], $0x80, s16, s13, $0xb8;
	[tilespmem:$0x1D000] =	vst v63  }
0x29: {  	_ =	swait.ge [sflag:s10], $0x2800  }
0x2a: {  	s18 =	smov.u32 s20;
	s16 =	sadd.s32 $0x80, s16;
	[sflag:s10] =	ssyncset.done $0x0  }
0x2b: {  	s17 =	sshra.s32 s17, $0x2;
	[sflag:s10] =	ssyncadd.s32 $0xFFFFD800  }
0x2c: {  	[tilespmem:s14], [sflag:$0x1] =	stream.indirect.gather [hbm4b:s4+s13], $0x80, s17, s13, $0xb8;
	[tilespmem:$0x1D000] =	vst v63  }
0x2d: {  	_ =	swait.ge [sflag:s10], $0x2800  }
0x2e: {  	[sflag:s10] =	ssyncset.done $0x0  }
0x2f: {  	[sflag:s10] =	ssyncadd.s32 $0xFFFFD800  }
0x30: {  	[spmem:s2] =	stream.indirect.scatter.add.f32 [tilespmem:s14], [sflag:$0x1], $0x80, s16, s13, $0xb8;
	[tilespmem:$0x1D000] =	vst v63  }
0x31: {  	_ =	swait.ge [sflag:s10], $0x2800  }
0x32: {  	s15 =	sadd.s32 $0x1, s15;
	[sflag:s10] =	ssyncset.done $0x0  }
0x33: {  	p0 =	sne.s32 s15, s9;
	[sflag:s10] =	ssyncadd.s32 $0xFFFFD800  }
.Ltmp1:
0x34: {  	[bflag:$0x0] =	sbarrier.arrive $0xFFFF;
	(pc) =	sbr.rel @p0 .LBB2_1-.Ltmp1, $4  }
0x35: {  	[hbm:s8], [sflag:s11] =	dma.local [spmem:s12], $0x2800  }
0x36: {  	_ =	swait.ge [sflag:s10], $0x2800  }
0x37: {  	[sflag:s10] =	ssyncset.done $0x0  }
0x38: {  	[sflag:s10] =	ssyncadd.s32 $0xFFFFD800  }
0x39: {  	_ =	sfence.sel $0x180000  }
0x3a: {  	[bflag:$0x0] =	sbarrier.arrive $0xFFFF  }
0x3b: {  	p0 =	sne.s32 s1, $0x0;
	_ =	strace $0x90000050  }
0x3c: {  	s0 =	sadd.s32 @!p0 $0x100000, s0;
	[bflag:$0x2] =	sbarrier.arrive $0xFFFF  }
0x3d: {  	[sflag:s0] =	ssyncadd.tile.s32 @!p0 $0x1;
	_ =	shalt  }
.Lfunc_end2:
_tile_overlayer_lowered:
.L_overlay_start_2:
0x3e: {  	(tag) =	ssettag $0x2  }
0x3f: {  	s0 =	rddreg [dreg:$0x0];
	s2 =	stileid.u32  }
0x40: {  	s1 =	rddreg [dreg:$0x1];
	p0 =	sne.s32 s2, $0x0  }
0x41: {  	s3 =	rddreg [dreg:$0x2];
	[bflag:$0x3] =	sbarrier.arrive $0xFFFF;
	s2 =	simm.s32 @!p0 $0x1C01  }
0x42: {  	[timem:s3], [sflag:s2] =	dma.local @!p0 [hbm:s0], s1  }
0x43: {  	s0 =	simm.s32 @!p0 $0x1  }
0x44: {  	_ =	swait.ge @!p0 [sflag:s0], s1  }
0x45: {  	s1 =	ssub.s32 @!p0 $0x0, s1;
	[sflag:s0] =	ssyncset.done @!p0 $0x0  }
0x46: {  	[sflag:s0] =	ssyncadd.s32 @!p0 s1  }
0x47: {  	[bflag:$0x3] =	sbarrier.arrive $0xFFFF  }
0x48: {  	_ =	shalt  }

// kernel: kernel.26.cloned.1.call-start
scs
__scs_entry_jumppad:
0x0: {  	(pc) =	sbr.rel $0x88, $3  }
0x1: {  	(tag) =	ssettag $0x0;
	lr =	simm.s32 $0x1  }
0x2: {  	[smem:$0x3F8C] =	sst lr;
	_ =	strace $0xD0000000  }
0x3: {  	_ = 	snop  }
0x4: {  	_ = 	snop  }
0x5: {  	_ = 	snop  }
0x6: {  	_ = 	snop  }
0x7: {  	_ = 	snop  }
__scs_overlays_trampoline_lowered:
0x8: {  	[smem:$0x3F9B] =	sst s0  }
0x9: {  	[smem:$0x3F9C] =	sst s1  }
0xa: {  	[smem:$0x3F9D] =	sst s2  }
0xb: {  	[smem:$0x3F9E] =	sst s3  }
0xc: {  	[smem:$0x3F9F] =	sst s4  }
0xd: {  	[smem:$0x3FA0] =	sst s5  }
0xe: {  	[smem:$0x3FA1] =	sst s6  }
0xf: {  	[smem:$0x3FA2] =	sst s7  }
0x10: {  	[smem:$0x3FA3] =	sst s8  }
0x11: {  	[smem:$0x3FA4] =	sst s9;
	s0 =	simm.s32 @!p0 $0x0  }
0x12: {  	s1 =	sld [smem:$0x3F8A];
	s0 =	simm.s32 @p0 $0x1  }
0x13: {  	[smem:$0x3FA5] =	sst s0;
	s0 =	simm.s32 @!p1 $0x0  }
0x14: {  	s2 =	sld [smem:$0x3F89];
	s0 =	simm.s32 @p1 $0x1  }
0x15: {  	[smem:$0x3FA6] =	sst s0;
	s0 =	simm.s32 @!p2 $0x0  }
0x16: {  	s3 =	sld [smem:$0x3FDB];
	s0 =	simm.s32 @p2 $0x1  }
0x17: {  	s4 =	simm.s32 $0x1BF5;
	[smem:$0x3FA8] =	sst s0  }
0x18: {  	s0 =	sld [smem:$0x3F8B];
	_ =	swait.ge [sflag:s4], $0x0  }
0x19: {  	s7 =	sld [smem:$0x3F8C]  }
0x1a: {  	s8 =	sadd.s32 $0xFFFFE003, lr  }
0x1b: {  	s9 =	sadd.s32 $0xFFFFFEF7, lr;
	s5 =	simm.s32 $0xFFFFFFFF;
	p2 =	slt.u32 s8, $0xFFFFF086  }
0x1c: {  	p1 =	slt.u32 s9, $0xF7A;
	s5 =	simm.s32 @!p2 $0x0  }
0x1d: {  	s5 =	simm.s32 @p1 $0x1;
	p0 =	seq.s32 s7, s2  }
0x1e: {  	s7 =	smul.u32 @!p0 $0xF7A, s2;
	p2 =	seq.s32 @!p0 s5, $0x0  }
0x1f: {  	s9 =	smul.u32 $0xF7A, s1;
	s8 =	simm.s32 @!p0 $0x1BF5;
	p2 =	por !p2, p0  }
0x20: {  	[sflag:s8] =	ssyncset.s32 @!p0 $0xFFFFF086;
	s6 =	sadd.s32 @!p0 s3, s7;
	s7 =	simm.s32 @!p0 $0x108  }
0x21: {  	s3 =	sadd.s32 s3, s9;
	s6 =	sadd.s32 @!p0 $0x88, s6;
	s7 =	simm.s32 @p2 $0x1082  }
0x22: {  	[simem:s7], [sflag:s8] =	dma.local @!p0 [hbm:s6], $0xF7A  }
0x23: {  	s9 =	sor.u32 $0xD0000000, s2;
	s6 =	simm.s32 $0x108;
	_ =	swait.ge @!p0 [sflag:s8], $0x0  }
0x24: {  	s3 =	sadd.s32 $0x88, s3;
	s6 =	simm.s32 @!p1 $0x1082;
	[sflag:s4] =	ssyncset.s32 $0xFFFFF086  }
0x25: {  	[simem:s6], [sflag:s4] =	dma.local [hbm:s3], $0xF7A  }
0x26: {  	[smem:$0x3F8C] =	sst s1;
	(tag) =	ssettag s2;
	_ =	strace s9  }
0x27: {  	s1 =	sld [smem:$0x3F9C]  }
0x28: {  	s2 =	sld [smem:$0x3F9D]  }
0x29: {  	s4 =	sld [smem:$0x3F9F]  }
0x2a: {  	p0 =	seq.s32 s5, $0x0;
	s5 =	sld [smem:$0x3FA0]  }
0x2b: {  	s6 =	sld [smem:$0x3FA1]  }
0x2c: {  	s7 =	sld [smem:$0x3FA2]  }
0x2d: {  	s3 =	simm.s32 $0x108;
	s8 =	sld [smem:$0x3FA3]  }
0x2e: {  	s3 =	simm.s32 @!p0 $0x1082;
	s9 =	sld [smem:$0x3FA4]  }
0x2f: {  	lr =	sadd.s32 s0, s3;
	s0 =	sld [smem:$0x3F9B]  }
0x30: {  	s3 =	sld [smem:$0x3F9E]  }
0x31: {  	[smem:$0x3FA7] =	sst s10  }
0x32: {  	s10 =	sld [smem:$0x3FA5];
	_ =	sdelay $0x3  }
0x33: {  	p0 =	seq.s32 s10, $0x1;
	s10 =	sld [smem:$0x3FA7];
	_ =	sdelay $0x3  }
0x34: {  	[smem:$0x3FA7] =	sst s10  }
0x35: {  	s10 =	sld [smem:$0x3FA6];
	_ =	sdelay $0x3  }
0x36: {  	p1 =	seq.s32 s10, $0x1;
	s10 =	sld [smem:$0x3FA7];
	_ =	sdelay $0x3  }
0x37: {  	[smem:$0x3FA7] =	sst s10  }
0x38: {  	s10 =	sld [smem:$0x3FA8]  }
0x39: {  	_ = 	snop;
	(pc) =	sbr.ind lr, $3  }
0x3a: {  	_ = 	snop  }
0x3b: {  	_ = 	snop  }
0x3c: {  	p2 =	seq.s32 s10, $0x1;
	s10 =	sld [smem:$0x3FA7]  }
0x3d: {  	_ =	shalt  }
0x3e: {  	_ =	shalt  }
0x3f: {  	_ =	shalt  }
0x40: {  	_ =	shalt  }
0x41: {  	_ =	shalt  }
0x42: {  	_ =	shalt  }
0x43: {  	_ =	shalt  }
0x44: {  	_ =	shalt  }
0x45: {  	_ =	shalt  }
0x46: {  	_ =	shalt  }
0x47: {  	_ =	shalt  }
0x48: {  	_ =	shalt  }
0x49: {  	_ =	shalt  }
0x4a: {  	_ =	shalt  }
0x4b: {  	_ =	shalt  }
0x4c: {  	_ =	shalt  }
0x4d: {  	_ =	shalt  }
0x4e: {  	_ =	shalt  }
0x4f: {  	_ =	shalt  }
0x50: {  	_ =	shalt  }
0x51: {  	_ =	shalt  }
0x52: {  	_ =	shalt  }
0x53: {  	_ =	shalt  }
0x54: {  	_ =	shalt  }
0x55: {  	_ =	shalt  }
0x56: {  	_ =	shalt  }
0x57: {  	_ =	shalt  }
0x58: {  	_ =	shalt  }
0x59: {  	_ =	shalt  }
0x5a: {  	_ =	shalt  }
0x5b: {  	_ =	shalt  }
0x5c: {  	_ =	shalt  }
0x5d: {  	_ =	shalt  }
0x5e: {  	_ =	shalt  }
0x5f: {  	_ =	shalt  }
0x60: {  	_ =	shalt  }
0x61: {  	_ =	shalt  }
0x62: {  	_ =	shalt  }
0x63: {  	_ =	shalt  }
0x64: {  	_ =	shalt  }
0x65: {  	_ =	shalt  }
0x66: {  	_ =	shalt  }
0x67: {  	_ =	shalt  }
0x68: {  	_ =	shalt  }
0x69: {  	_ =	shalt  }
0x6a: {  	_ =	shalt  }
0x6b: {  	_ =	shalt  }
0x6c: {  	_ =	shalt  }
0x6d: {  	_ =	shalt  }
0x6e: {  	_ =	shalt  }
0x6f: {  	_ =	shalt  }
0x70: {  	_ =	shalt  }
0x71: {  	_ =	shalt  }
0x72: {  	_ =	shalt  }
0x73: {  	_ =	shalt  }
0x74: {  	_ =	shalt  }
0x75: {  	_ =	shalt  }
0x76: {  	_ =	shalt  }
0x77: {  	_ =	shalt  }
0x78: {  	_ =	shalt  }
0x79: {  	_ =	shalt  }
0x7a: {  	_ =	shalt  }
0x7b: {  	_ =	shalt  }
0x7c: {  	_ =	shalt  }
0x7d: {  	_ =	shalt  }
0x7e: {  	_ =	shalt  }
0x7f: {  	_ =	shalt  }
0x80: {  	_ =	shalt  }
0x81: {  	_ =	shalt  }
0x82: {  	_ =	shalt  }
0x83: {  	_ =	shalt  }
0x84: {  	_ =	shalt  }
0x85: {  	_ =	shalt  }
0x86: {  	_ =	shalt  }
0x87: {  	_ =	shalt  }
.Lfunc_end0:
.L_simem_size_0:
called_computation.4_lowered:
.L_overlay_start_0:
0x88: {  	s2 =	sld [smem:$0x3FD9]  }
0x89: {  	s3 =	sld [smem:$0x3FFE];
	_ =	sdelay $0x1  }
0x8a: {  	s1 =	srdreg.scid  }
0x8b: {  	s0 =	sand.u32 $0x1, s1  }
0x8c: {  	s16 =	sshll.u32 s0, $0xA;
	s2 =	sadd.s32 s3, s2  }
0x8d: {  	s2 =	sadd.s32 s2, s16  }
0x8e: {  	[smem:$0x3FB3] =	sst s2  }
0x8f: {  	_ = 	snop  }
0x90: {  	(tm) =	ssettm $0x1  }
0x91: {  	s17 =	sld [smem:$0x3FFB];
	_ =	sdelay $0x3  }
0x92: {  	_ =	strace s17  }
0x93: {  	s2 =	sld [smem:$0x3FFC];
	_ =	sdelay $0x3  }
0x94: {  	_ =	strace s2  }
0x95: {  	s2 =	sld [smem:$0x3FFD];
	_ =	sdelay $0x3  }
0x96: {  	_ =	strace s2  }
0x97: {  	_ =	strace $0x8FFFFFFF  }
0x98: {  	s18 =	sld [smem:$0x3FDB];
	_ =	sdelay $0x1  }
0x99: {  	s19 =	simm.s32 $_scs_section_size  }
0x9a: {  	s4 =	simm.s32 $_size__tile_overlayer_lowered;
	s5 =	simm.s32 $_tile_overlayer_lowered  }
0x9b: {  	s22 =	simm.s32 $0x1BFF;
	s21 =	sshll.u32 s5, $0x1;
	s2 =	sadd.s32 s19, s18  }
0x9c: {  	s6 =	simm.s32 $0x0;
	s20 =	sshll.u32 s4, $0x1;
	s4 =	sadd.s32 s21, s2  }
0x9d: {  	[timem:s6], [sflag:s22] =	dma.local [hbm:s4], s20  }
0x9e: {  	_ =	swait.ge [sflag:s22], s20  }
0x9f: {  	s3 =	ssub.s32 $0x0, s20;
	[sflag:s22] =	ssyncset.done $0x0  }
0xa0: {  	[sflag:s22] =	ssyncadd.s32 s3;
	_ =	sdelay $0x1  }
0xa1: {  	s23 =	simm.s32 $0x1B8B  }
0xa2: {  	_ =	swait.ge [sflag:s23], $0x1  }
0xa3: {  	[sflag:s23] =	ssyncset.done $0x0  }
0xa4: {  	s25 =	simm.s32 $0x1B8E;
	s24 =	sld [smem:$0x3FFE];
	[sflag:s23] =	ssyncadd.s32 $0xFFFFFFFF  }
0xa5: {  	s26 =	simm.s32 $execute0_lowered;
	[smem:$0x3FD2] =	sst s25  }
0xa6: {  	s4 =	sshll.u32 s26, $0x1;
	_ =	strace $0x80000052;
	[dreg:$0x1] =	wrdreg $0xFFFFFFFF  }
0xa7: {  	s28 =	simm.s32 $_size_execute0_lowered;
	s2 =	sadd.s32 s2, s4;
	[dreg:$0x0] =	wrdreg $0x0  }
0xa8: {  	s4 =	sshll.u32 s28, $0x1;
	[dreg:$0x2] =	wrdreg s2  }
0xa9: {  	[dreg:$0x3] =	wrdreg s4  }
0xaa: {  	[dreg:$0x4] =	wrdreg $0xC0  }
0xab: {  	_ =	task [dreg:s6], $0x5FFFF  }
0xac: {  	[dreg:$0x1] =	wrdreg $0xFFFFFFFF  }
0xad: {  	[dreg:$0x0] =	wrdreg $0x60  }
0xae: {  	[dreg:$0x2] =	wrdreg s24  }
0xaf: {  	[dreg:$0x3] =	wrdreg $0x90000  }
0xb0: {  	[dreg:$0x4] =	wrdreg $0x9  }
0xb1: {  	_ =	task.clear_ibuf [dreg:s6], $0x5FFFF;
	_ =	strace $0x90000052  }
0xb2: {  	s29 =	simm.s32 $0x9;
	_ =	strace $0x80000054  }
0xb3: {  	_ =	swait.ge [sflag:s29], $0x1  }
0xb4: {  	[sflag:s29] =	ssyncadd.s32 $0xFFFFFFFF  }
0xb5: {  	_ =	strace $0x90000054  }
0xb6: {  	_ =	sfence  }
0xb7: {  	s30 =	sld [smem:$0x0];
	_ =	sdelay $0x2  }
0xb8: {  	s31 =	sshll.u32 s1, $0xD;
	s1 =	sshrl.u32 s1, $0x2  }
0xb9: {  	s3 =	sand.u32 $0x4000, s31;
	s1 =	sadd.s32 s1, s30  }
0xba: {  	s0 =	sor.u32 s3, s0;
	s1 =	sshll.u32 s1, $0x11  }
0xbb: {  	s0 =	sor.u32 s1, s0  }
0xbc: {  	s0 =	sadd.s32 $0x8F2B, s0  }
0xbd: {  	[sflag:s0] =	ssyncadd.remote.s32 $0x1  }
0xbe: {  	_ =	sfence.sel $0xFFFF  }
0xbf: {  	[dreg:$0x0] =	wrdreg $0xFFFFFFFF;
	(pc) =	sbr.abs _section_cstart, $3  }
0xc0: {  	[dreg:$0x1] =	wrdreg $0xFFFFFFFF  }
0xc1: {  	_ =	task.clear_ibuf [dreg:s6], $0x2FFFF;
	_ =	strace $0x9FFFFFFF  }
0xc2: {  	(tm) =	ssettm $0x7FFFFFFF  }
0xc3: {  	_ =	shalt  }
tec
execute0_lowered:
.L_overlay_start_1:
0x0: {  	(tag) =	ssettag $0x1  }
0x1: {  	s0 =	srdreg.scid;
	s6 =	rddreg [dreg:$0x0]  }
0x2: {  	s2 =	rddreg [dreg:$0x1];
	s1 =	stileid.u32;
	s3 =	simm.s32 $0x0  }
0x3: {  	s13 =	simm.s32 $0x50;
	s14 =	simm.s32 $0x6800;
	s15 =	simm.s32 $0x0  }
0x4: {  	s5 =	sand.u32 $0x1, s0;
	s0 =	rddreg [dreg:$0x2];
	s9 =	smul.u32 $0x2800, s1  }
0x5: {  	[smem:$0x7FF] =	sst s3;
	s12 =	smul.u32 $0x50000, s1;
	s31 =	sshll.u32 s1, $0x6  }
0x6: {  	s4 =	sshll.u32 s5, $0x4;
	_ =	strace $0x80000053;
	s10 =	smul.u32 $0x28000, s5  }
0x7: {  	s11 =	ssub.s32 $0x2, s5;
	s5 =	sadd.s32 $0x28200, s6;
	s7 =	sor.u32 s1, s4  }
0x8: {  	s4 =	sadd.s32 $0x2AA00, s6;
	s29 =	sshrl.u32 s11, $0x1;
	s30 =	sshrl.u32 s12, $0x2  }
0x9: {  	s8 =	smul.u32 $0x500, s7;
	s7 =	sshll.u32 s7, $0xB;
	s9 =	sadd.s32 s9, s10  }
0xa: {  	s10 =	ssub.s32 s11, s29;
	s12 =	sadd.s32 s30, s2;
	s11 =	sor.u32 $0x1C01, s31  }
0xb: {  	s7 =	sadd.s32 s7, s6;
	s9 =	sadd.s32 s9, s6;
	s8 =	sadd.s32 s8, s6  }
0xc: {  	s12 =	sshrl.u32 s12, $0x3;
	s7 =	sadd.s32 $0xE200, s7;
	s6 =	sadd.s32 $0xA2A00, s8  }
0xd: {  	s8 =	sadd.s32 $0x52A00, s9;
	s9 =	smax.u32 s10, $0x1;
	s10 =	simm.s32 $0x1  }
.LBB2_1:
0xe: {  	[tilespmem:s3], [sflag:$0x1] =	stream.linear.gather [hbm4b:s6+s3], $0x2800, $0x38;
	[tilespmem:$0x1D000] =	vst v63  }
0xf: {  	_ =	swait.ge [sflag:s10], $0x2800  }
0x10: {  	[sflag:s10] =	ssyncset.done $0x0  }
0x11: {  	s16 =	simm.s32 $0x2800;
	[sflag:s10] =	ssyncadd.s32 $0xFFFFD800  }
0x12: {  	[tilespmem:s16], [sflag:$0x1] =	stream.linear.gather [hbm4b:s7+s3], $0x4000, $0x38;
	[tilespmem:$0x1D000] =	vst v63  }
0x13: {  	_ =	swait.ge [sflag:s10], $0x4000  }
0x14: {  	[sflag:s10] =	ssyncset.done $0x0  }
0x15: {  	[sflag:s10] =	ssyncadd.s32 $0xFFFFC000  }
0x16: {  	[spmem:s12], [sflag:s11] =	dma.local [hbm:s5], $0x2800  }
0x17: {  	_ =	swait.ge [sflag:s10], $0x2800  }
0x18: {  	[sflag:s10] =	ssyncset.done $0x0  }
0x19: {  	[sflag:s10] =	ssyncadd.s32 $0xFFFFD800  }
0x1a: {  	s17 =	simm.s32 $0x0;
	[bflag:$0x0] =	sbarrier.arrive $0xFFFF  }
0x1b: {  	[tilespmem:s14], [sflag:$0x1] =	stream.indirect.gather [hbm4b:s4+s13], $0x80, s17, s13, $0xb8;
	[tilespmem:$0x1D000] =	vst v63  }
0x1c: {  	_ =	swait.ge [sflag:s10], $0x2800  }
0x1d: {  	[sflag:s10] =	ssyncset.done $0x0  }
0x1e: {  	[sflag:s10] =	ssyncadd.s32 $0xFFFFD800  }
0x1f: {  	[spmem:s2] =	stream.indirect.scatter.add.f32 [tilespmem:s14], [sflag:$0x1], $0x80, s16, s13, $0xb8;
	[tilespmem:$0x1D000] =	vst v63  }
0x20: {  	s18 =	simm.s32 $0x280;
	_ =	swait.ge [sflag:s10], $0x2800  }
0x21: {  	s17 =	simm.s32 $0x140;
	s16 =	simm.s32 $0x2880;
	[sflag:s10] =	ssyncset.done $0x0  }
.LBB2_2:
0x22: {  	s19 =	sshra.s32 s17, $0x2  }
0x23: {  	[sflag:s10] =	ssyncadd.s32 $0xFFFFD800;
	s17 =	smov.u32 s18;
	s20 =	sadd.s32 $0x140, s18  }
0x24: {  	[tilespmem:s14], [sflag:$0x1] =	stream.indirect.gather [hbm4b:s4+s13], $0x80, s19, s13, $0xb8;
	[tilespmem:$0x1D000] =	vst v63  }
0x25: {  	p0 =	sne.s32 s18, $0x9EC0;
	_ =	swait.ge [sflag:s10], $0x2800  }
.Ltmp0:
0x26: {  	[sflag:s10] =	ssyncset.done $0x0;
	(pc) =	sbr.rel @p0 .LBB2_2-.Ltmp0, $4  }
0x27: {  	[sflag:s10] =	ssyncadd.s32 $0xFFFFD800  }
0x28: {  	[spmem:s2] =	stream.indirect.scatter.add.f32 [tilespmem:s14], [sflag:$0x1], $0x80, s16, s13, $0xb8;
	[tilespmem:$0x1D000] =	vst v63  }
0x29: {  	_ =	swait.ge [sflag:s10], $0x2800  }
0x2a: {  	s18 =	smov.u32 s20;
	s16 =	sadd.s32 $0x80, s16;
	[sflag:s10] =	ssyncset.done $0x0  }
0x2b: {  	s17 =	sshra.s32 s17, $0x2;
	[sflag:s10] =	ssyncadd.s32 $0xFFFFD800  }
0x2c: {  	[tilespmem:s14], [sflag:$0x1] =	stream.indirect.gather [hbm4b:s4+s13], $0x80, s17, s13, $0xb8;
	[tilespmem:$0x1D000] =	vst v63  }
0x2d: {  	_ =	swait.ge [sflag:s10], $0x2800  }
0x2e: {  	[sflag:s10] =	ssyncset.done $0x0  }
0x2f: {  	[sflag:s10] =	ssyncadd.s32 $0xFFFFD800  }
0x30: {  	[spmem:s2] =	stream.indirect.scatter.add.f32 [tilespmem:s14], [sflag:$0x1], $0x80, s16, s13, $0xb8;
	[tilespmem:$0x1D000] =	vst v63  }
0x31: {  	_ =	swait.ge [sflag:s10], $0x2800  }
0x32: {  	s15 =	sadd.s32 $0x1, s15;
	[sflag:s10] =	ssyncset.done $0x0  }
0x33: {  	p0 =	sne.s32 s15, s9;
	[sflag:s10] =	ssyncadd.s32 $0xFFFFD800  }
.Ltmp1:
0x34: {  	[bflag:$0x0] =	sbarrier.arrive $0xFFFF;
	(pc) =	sbr.rel @p0 .LBB2_1-.Ltmp1, $4  }
0x35: {  	[hbm:s8], [sflag:s11] =	dma.local [spmem:s12], $0x2800  }
0x36: {  	_ =	swait.ge [sflag:s10], $0x2800  }
0x37: {  	[sflag:s10] =	ssyncset.done $0x0  }
0x38: {  	[sflag:s10] =	ssyncadd.s32 $0xFFFFD800  }
0x39: {  	_ =	sfence.sel $0x180000  }
0x3a: {  	[bflag:$0x0] =	sbarrier.arrive $0xFFFF  }
0x3b: {  	p0 =	sne.s32 s1, $0x0;
	_ =	strace $0x90000053  }
0x3c: {  	s0 =	sadd.s32 @!p0 $0x100000, s0;
	[bflag:$0x2] =	sbarrier.arrive $0xFFFF  }
0x3d: {  	[sflag:s0] =	ssyncadd.tile.s32 @!p0 $0x1;
	_ =	shalt  }
.Lfunc_end2:
_tile_overlayer_lowered:
.L_overlay_start_2:
0x3e: {  	(tag) =	ssettag $0x2  }
0x3f: {  	s0 =	rddreg [dreg:$0x0];
	s2 =	stileid.u32  }
0x40: {  	s1 =	rddreg [dreg:$0x1];
	p0 =	sne.s32 s2, $0x0  }
0x41: {  	s3 =	rddreg [dreg:$0x2];
	[bflag:$0x3] =	sbarrier.arrive $0xFFFF;
	s2 =	simm.s32 @!p0 $0x1C01  }
0x42: {  	[timem:s3], [sflag:s2] =	dma.local @!p0 [hbm:s0], s1  }
0x43: {  	s0 =	simm.s32 @!p0 $0x1  }
0x44: {  	_ =	swait.ge @!p0 [sflag:s0], s1  }
0x45: {  	s1 =	ssub.s32 @!p0 $0x0, s1;
	[sflag:s0] =	ssyncset.done @!p0 $0x0  }
0x46: {  	[sflag:s0] =	ssyncadd.s32 @!p0 s1  }
0x47: {  	[bflag:$0x3] =	sbarrier.arrive $0xFFFF  }
0x48: {  	_ =	shalt  }

</sc_bundles>
